<compile_context>
chip_gen: v7x
topology: tpu7x:2x2x1
jax: 0.10.2.dev20260603
libtpu: 0.0.44.dev20260713+nightly
codegen_flags: <defaults>
</compile_context>

<pallas_src>
import functools

import jax
import jax.numpy as jnp
from jax import lax
from jax.experimental import pallas as pl
from jax.experimental.pallas import tpu as pltpu
from jax.experimental.pallas import tpu_sc as plsc

_B = 16384
_F = 26
_ND = 13
_NC = 2
_NS = 16
_NW = _NC * _NS
_NB = _B // _NW
_NIDX = _F * _NB
_L = 16
_NSTREAM = 4


def _sc_body(cat_hbm, off_hbm, num_hbm, cst_hbm, table_hbm, out_hbm,
             idx_v, off_v, val_v, num_v, cst_v, out_v, gsem):
    wid = lax.axis_index("s") * _NC + lax.axis_index("c")
    base = wid * _NB

    pltpu.sync_copy(cat_hbm.at[wid], idx_v)
    pltpu.sync_copy(off_hbm, off_v)
    pltpu.sync_copy(num_hbm.at[wid], num_v)
    pltpu.sync_copy(cst_hbm, cst_v)

    def add_off(i, _):
        s = pl.ds(i * _L, _L)
        idx_v[s] = idx_v[s] + off_v[s]
        return 0

    lax.fori_loop(0, _NIDX // _L, add_off, 0)

    chunk = _NIDX // _NSTREAM
    gathers = [
        pltpu.async_copy(
            table_hbm.at[idx_v.at[pl.ds(q * chunk, chunk)]],
            val_v.at[pl.ds(q * chunk, chunk)],
            gsem.at[q],
        )
        for q in range(_NSTREAM)
    ]

    def dense(c, _):
        s = pl.ds(c * _L, _L)
        acc = cst_v[pl.ds(_ND * _L, _L)]
        for j in range(_ND):
            acc = acc + num_v[pl.ds(j * _NB + c * _L, _L)] * cst_v[pl.ds(j * _L, _L)]
        out_v[s] = acc
        return 0

    lax.fori_loop(0, _NB // _L, dense, 0)

    for g in gathers:
        g.wait()

    def reduce(c, _):
        s = pl.ds(c * _L, _L)
        acc = out_v[s]
        for f in range(_F):
            acc = acc + val_v[pl.ds(f * _NB + c * _L, _L)]
        out_v[s] = acc
        return 0

    lax.fori_loop(0, _NB // _L, reduce, 0)

    pltpu.sync_copy(out_v, out_hbm.at[pl.ds(base, _NB)])


@jax.jit
def _cat_linear_sc(cat_prep, off_flat, num_prep, cst, table_flat):
    mesh = plsc.VectorSubcoreMesh(core_axis_name="c", subcore_axis_name="s")
    k = pl.kernel(
        _sc_body,
        out_type=jax.ShapeDtypeStruct((_B,), jnp.float32),
        mesh=mesh,
        scratch_types=[
            pltpu.VMEM((_NIDX,), jnp.int32),
            pltpu.VMEM((_NIDX,), jnp.int32),
            pltpu.VMEM((_NIDX,), jnp.float32),
            pltpu.VMEM((_ND * _NB,), jnp.float32),
            pltpu.VMEM(((_ND + 1) * _L,), jnp.float32),
            pltpu.VMEM((_NB,), jnp.float32),
            pltpu.SemaphoreType.DMA((_NSTREAM,)),
        ],
    )
    return k(cat_prep, off_flat, num_prep, cst, table_flat)


def kernel(numbers, bias, lin_w, cat_params, categories, embed_idx):
    cat_prep = (
        categories.reshape(_NW, _NB, _F).transpose(0, 2, 1).reshape(_NW, _NIDX)
    )
    off_flat = jnp.repeat(embed_idx.astype(jnp.int32), _NB)
    num_prep = (
        numbers.reshape(_NW, _NB, _ND).transpose(0, 2, 1).reshape(_NW, _ND * _NB)
    )
    cst = jnp.concatenate(
        [jnp.repeat(lin_w.reshape(_ND), _L), jnp.repeat(bias.reshape(1), _L)]
    )
    table_flat = cat_params.reshape(-1)
    out = _cat_linear_sc(cat_prep, off_flat, num_prep, cst, table_flat)
    return out.reshape(_B, 1)

# --- scband reference (transcript-rebuilt; emitter-appended) ---
"""Pipeline reference for scband-cat-linear-31387620999844 (READ-ONLY COPY).

The authoritative reference and input builder live on the scoring server;
editing this copy changes nothing except your own understanding.
"""

import jax, jax.numpy as jnp
import numpy as np

B = 16384
NUM_FIELDS = 26
VOCAB = 1000000
NUMERIC_SIZE = 13
OUTPUT_SIZE = 1


def setup_inputs(seed: int = 0) -> dict:
    key = jax.random.key(seed)
    k1, k2, k3, k4 = jax.random.split(key, 4)
    numbers = jax.random.normal(k1, (B, NUMERIC_SIZE), dtype=jnp.float32)
    categories = jax.random.randint(k2, (B, NUM_FIELDS), 0, VOCAB, dtype=jnp.int32)
    # learned parameters (module inits these to zeros; use small random for a meaningful test)
    bias = jnp.zeros((OUTPUT_SIZE,), dtype=jnp.float32)
    lin_w = jax.random.normal(k3, (OUTPUT_SIZE, NUMERIC_SIZE), dtype=jnp.float32) * 0.01
    cat_params = jax.random.normal(k4, (NUM_FIELDS * VOCAB, OUTPUT_SIZE), dtype=jnp.float32) * 0.01
    embed_sizes = jnp.full((NUM_FIELDS,), VOCAB, dtype=jnp.int32)
    embed_idx = jnp.cumsum(embed_sizes) - embed_sizes  # per-field row offsets into cat_params
    return {
        "numbers": numbers,
        "bias": bias,
        "lin_w": lin_w,
        "cat_params": cat_params,
        "categories": categories,
        "embed_idx": embed_idx,
    }


def reference(numbers, bias, lin_w, cat_params, categories, embed_idx):
    # x = bias + Linear(numbers)  (no linear bias)
    x = bias + numbers @ lin_w.T  # [B, OUTPUT_SIZE]
    # offset per-field category ids into the concatenated table, gather, sum over fields
    flat_idx = categories + embed_idx[None, :]  # [B, NUM_FIELDS]
    gathered = jnp.take(cat_params, flat_idx, axis=0)  # [B, NUM_FIELDS, OUTPUT_SIZE]
    x = x + gathered.sum(axis=1)  # [B, OUTPUT_SIZE]
    return x

if __name__ == "__main__":
    import jax
    _d = setup_inputs()
    print(jax.jit(kernel)(*tuple(_d.values())))

</pallas_src>

<mosaic_0001>
#map = affine_map<(d0, d1) -> (0, 0)>
#map1 = affine_map<(d0, d1) -> (0)>
module attributes {stable_mosaic.version = 14 : i64} {
  func.func @_sc_body(%arg0: i32, %arg1: i32, %arg2: memref<32x13312xi32, #tpu.memory_space<hbm>>, %arg3: memref<13312xi32, #tpu.memory_space<hbm>>, %arg4: memref<32x6656xf32, #tpu.memory_space<hbm>>, %arg5: memref<224xf32, #tpu.memory_space<hbm>>, %arg6: memref<26000000xf32, #tpu.memory_space<hbm>>, %arg7: memref<16384xf32, #tpu.memory_space<hbm>>, %arg8: memref<13312xi32, #tpu.memory_space<vmem>>, %arg9: memref<13312xi32, #tpu.memory_space<vmem>>, %arg10: memref<13312xf32, #tpu.memory_space<vmem>>, %arg11: memref<6656xf32, #tpu.memory_space<vmem>>, %arg12: memref<224xf32, #tpu.memory_space<vmem>>, %arg13: memref<512xf32, #tpu.memory_space<vmem>>, %arg14: memref<4x!tpu.dma_semaphore, #tpu.memory_space<semaphore_mem>>) attributes {dimension_semantics = [#tpu.dimension_semantics<core_parallel>, #tpu.dimension_semantics<subcore_parallel>], iteration_bounds = array<i64: 2, 16>, scalar_prefetch = 0 : i64, scratch_operands = 7 : i64, tpu.core_type = #tpu.core_type<sc_vector_subcore>, window_params = [{transform_indices = #map}, {transform_indices = #map1}, {transform_indices = #map}, {transform_indices = #map1}, {transform_indices = #map1}, {transform_indices = #map1}]} {
    %mul3A = arith.constant 2 : i32
    %mul3A_0 = arith.muli %arg1, %mul3A : i32
    %add3A = arith.addi %mul3A_0, %arg0 : i32
    %mul3A_1 = arith.constant 512 : i32
    %mul3A_2 = arith.muli %add3A, %mul3A_1 : i32
    "tpu.region"() ({
      %run_scoped3A = tpu.sem_alloc : memref<!tpu.dma_semaphore, #tpu.memory_space<semaphore_mem>>
      %dma_start3A_93 = arith.constant 0 : i32
      %dma_start3A_94 = tpu.memref_slice %arg2[%add3A, %dma_start3A_93] : memref<32x13312xi32, #tpu.memory_space<hbm>> -> memref<1x13312xi32, #tpu.memory_space<hbm>>
      %dma_start3A_95 = tpu.memref_squeeze %dma_start3A_94 : memref<1x13312xi32, #tpu.memory_space<hbm>> -> memref<13312xi32, #tpu.memory_space<hbm>>
      %dma_start3A_96 = arith.constant 0 : i32
      %dma_start3A_97 = tpu.memref_slice %arg2[%add3A, %dma_start3A_96] : memref<32x13312xi32, #tpu.memory_space<hbm>> -> memref<1x13312xi32, #tpu.memory_space<hbm>>
      %dma_start3A_98 = tpu.memref_squeeze %dma_start3A_97 : memref<1x13312xi32, #tpu.memory_space<hbm>> -> memref<13312xi32, #tpu.memory_space<hbm>>
      tpu.enqueue_dma source(%dma_start3A_98 : memref<13312xi32, #tpu.memory_space<hbm>>) target(%arg8 : memref<13312xi32, #tpu.memory_space<vmem>>) target_semaphore(%run_scoped3A : memref<!tpu.dma_semaphore, #tpu.memory_space<semaphore_mem>>)
      %dma_wait3A_99 = arith.constant 0 : i32
      %dma_wait3A_100 = tpu.memref_slice %arg2[%add3A, %dma_wait3A_99] : memref<32x13312xi32, #tpu.memory_space<hbm>> -> memref<1x13312xi32, #tpu.memory_space<hbm>>
      %dma_wait3A_101 = tpu.memref_squeeze %dma_wait3A_100 : memref<1x13312xi32, #tpu.memory_space<hbm>> -> memref<13312xi32, #tpu.memory_space<hbm>>
      %dma_wait3A_102 = arith.constant 0 : i32
      %dma_wait3A_103 = tpu.memref_slice %arg2[%add3A, %dma_wait3A_102] : memref<32x13312xi32, #tpu.memory_space<hbm>> -> memref<1x13312xi32, #tpu.memory_space<hbm>>
      %dma_wait3A_104 = tpu.memref_squeeze %dma_wait3A_103 : memref<1x13312xi32, #tpu.memory_space<hbm>> -> memref<13312xi32, #tpu.memory_space<hbm>>
      tpu.wait_dma2 semaphore(%run_scoped3A : memref<!tpu.dma_semaphore, #tpu.memory_space<semaphore_mem>>) src(%dma_wait3A_104 : memref<13312xi32, #tpu.memory_space<hbm>>) dst(%arg8 : memref<13312xi32, #tpu.memory_space<vmem>>)
      tpu.yield
    }) : () -> ()
    "tpu.region"() ({
      %run_scoped3A = tpu.sem_alloc : memref<!tpu.dma_semaphore, #tpu.memory_space<semaphore_mem>>
      tpu.enqueue_dma source(%arg3 : memref<13312xi32, #tpu.memory_space<hbm>>) target(%arg9 : memref<13312xi32, #tpu.memory_space<vmem>>) target_semaphore(%run_scoped3A : memref<!tpu.dma_semaphore, #tpu.memory_space<semaphore_mem>>)
      tpu.wait_dma2 semaphore(%run_scoped3A : memref<!tpu.dma_semaphore, #tpu.memory_space<semaphore_mem>>) src(%arg3 : memref<13312xi32, #tpu.memory_space<hbm>>) dst(%arg9 : memref<13312xi32, #tpu.memory_space<vmem>>)
      tpu.yield
    }) : () -> ()
    "tpu.region"() ({
      %run_scoped3A = tpu.sem_alloc : memref<!tpu.dma_semaphore, #tpu.memory_space<semaphore_mem>>
      %dma_start3A_93 = arith.constant 0 : i32
      %dma_start3A_94 = tpu.memref_slice %arg4[%add3A, %dma_start3A_93] : memref<32x6656xf32, #tpu.memory_space<hbm>> -> memref<1x6656xf32, #tpu.memory_space<hbm>>
      %dma_start3A_95 = tpu.memref_squeeze %dma_start3A_94 : memref<1x6656xf32, #tpu.memory_space<hbm>> -> memref<6656xf32, #tpu.memory_space<hbm>>
      %dma_start3A_96 = arith.constant 0 : i32
      %dma_start3A_97 = tpu.memref_slice %arg4[%add3A, %dma_start3A_96] : memref<32x6656xf32, #tpu.memory_space<hbm>> -> memref<1x6656xf32, #tpu.memory_space<hbm>>
      %dma_start3A_98 = tpu.memref_squeeze %dma_start3A_97 : memref<1x6656xf32, #tpu.memory_space<hbm>> -> memref<6656xf32, #tpu.memory_space<hbm>>
      tpu.enqueue_dma source(%dma_start3A_98 : memref<6656xf32, #tpu.memory_space<hbm>>) target(%arg11 : memref<6656xf32, #tpu.memory_space<vmem>>) target_semaphore(%run_scoped3A : memref<!tpu.dma_semaphore, #tpu.memory_space<semaphore_mem>>)
      %dma_wait3A_99 = arith.constant 0 : i32
      %dma_wait3A_100 = tpu.memref_slice %arg4[%add3A, %dma_wait3A_99] : memref<32x6656xf32, #tpu.memory_space<hbm>> -> memref<1x6656xf32, #tpu.memory_space<hbm>>
      %dma_wait3A_101 = tpu.memref_squeeze %dma_wait3A_100 : memref<1x6656xf32, #tpu.memory_space<hbm>> -> memref<6656xf32, #tpu.memory_space<hbm>>
      %dma_wait3A_102 = arith.constant 0 : i32
      %dma_wait3A_103 = tpu.memref_slice %arg4[%add3A, %dma_wait3A_102] : memref<32x6656xf32, #tpu.memory_space<hbm>> -> memref<1x6656xf32, #tpu.memory_space<hbm>>
      %dma_wait3A_104 = tpu.memref_squeeze %dma_wait3A_103 : memref<1x6656xf32, #tpu.memory_space<hbm>> -> memref<6656xf32, #tpu.memory_space<hbm>>
      tpu.wait_dma2 semaphore(%run_scoped3A : memref<!tpu.dma_semaphore, #tpu.memory_space<semaphore_mem>>) src(%dma_wait3A_104 : memref<6656xf32, #tpu.memory_space<hbm>>) dst(%arg11 : memref<6656xf32, #tpu.memory_space<vmem>>)
      tpu.yield
    }) : () -> ()
    "tpu.region"() ({
      %run_scoped3A = tpu.sem_alloc : memref<!tpu.dma_semaphore, #tpu.memory_space<semaphore_mem>>
      tpu.enqueue_dma source(%arg5 : memref<224xf32, #tpu.memory_space<hbm>>) target(%arg12 : memref<224xf32, #tpu.memory_space<vmem>>) target_semaphore(%run_scoped3A : memref<!tpu.dma_semaphore, #tpu.memory_space<semaphore_mem>>)
      tpu.wait_dma2 semaphore(%run_scoped3A : memref<!tpu.dma_semaphore, #tpu.memory_space<semaphore_mem>>) src(%arg5 : memref<224xf32, #tpu.memory_space<hbm>>) dst(%arg12 : memref<224xf32, #tpu.memory_space<vmem>>)
      tpu.yield
    }) : () -> ()
    %scan3A = arith.constant 0 : i32
    %scan3A_3 = arith.constant 0 : i32
    %scan3A_4 = arith.constant 832 : i32
    %scan3A_5 = arith.addi %scan3A_3, %scan3A_4 : i32
    %scan3A_6 = arith.constant 1 : i32
    %scan3A_7 = scf.for %scan3A_93 = %scan3A_3 to %scan3A_5 step %scan3A_6 iter_args(%scan3A_94 = %scan3A) -> (i32)  : i32 {
      %mul3A_95 = arith.constant 16 : i32
      %mul3A_96 = arith.muli %scan3A_93, %mul3A_95 : i32
      %get3A = arith.index_cast %mul3A_96 : i32 to index
      %get3A_97 = tpu.vector_load %arg8[%get3A] {strides = array<i32>} : memref<13312xi32, #tpu.memory_space<vmem>>, vector<16xi32>,
      %get3A_98 = vector.shape_cast %get3A_97 : vector<16xi32> to vector<16xi32>
      %get3A_99 = arith.index_cast %mul3A_96 : i32 to index
      %get3A_100 = tpu.vector_load %arg9[%get3A_99] {strides = array<i32>} : memref<13312xi32, #tpu.memory_space<vmem>>, vector<16xi32>,
      %get3A_101 = vector.shape_cast %get3A_100 : vector<16xi32> to vector<16xi32>
      %add3A_102 = arith.addi %get3A_98, %get3A_101 : vector<16xi32>
      %swap3A = arith.index_cast %mul3A_96 : i32 to index
      %swap3A_103 = tpu.vector_load %arg8[%swap3A] {strides = array<i32>} : memref<13312xi32, #tpu.memory_space<vmem>>, vector<16xi32>,
      %swap3A_104 = vector.shape_cast %swap3A_103 : vector<16xi32> to vector<16xi32>
      %swap3A_105 = vector.shape_cast %add3A_102 : vector<16xi32> to vector<16xi32>
      tpu.vector_store %arg8[%swap3A], %swap3A_105 {strides = array<i32>} : memref<13312xi32, #tpu.memory_space<vmem>>, vector<16xi32>,
      %scan3A_106 = arith.constant 0 : i32
      scf.yield %scan3A_106 : i32
    }
    %scan3A_8 = arith.constant 832 : i32
    %dma_start3A = arith.constant 0 : i32
    %dma_start3A_9 = arith.constant 0 : i32
    %dma_start3A_10 = tpu.memref_slice %arg10[%dma_start3A_9] : memref<13312xf32, #tpu.memory_space<vmem>> -> memref<3328xf32, #tpu.memory_space<vmem>>
    %dma_start3A_11 = arith.constant 0 : i32
    %dma_start3A_12 = tpu.memref_slice %arg8[%dma_start3A_11] : memref<13312xi32, #tpu.memory_space<vmem>> -> memref<3328xi32, #tpu.memory_space<vmem>>
    %dma_start3A_13 = arith.constant 0 : i32
    %dma_start3A_14 = tpu.memref_slice %arg6[%dma_start3A_13] : memref<26000000xf32, #tpu.memory_space<hbm>> -> memref<26000000xf32, #tpu.memory_space<hbm>>
    %dma_start3A_15 = tpu.memref_slice %arg14[%dma_start3A] : memref<4x!tpu.dma_semaphore, #tpu.memory_space<semaphore_mem>> -> memref<1x!tpu.dma_semaphore, #tpu.memory_space<semaphore_mem>>
    %dma_start3A_16 = tpu.memref_squeeze %dma_start3A_15 : memref<1x!tpu.dma_semaphore, #tpu.memory_space<semaphore_mem>> -> memref<!tpu.dma_semaphore, #tpu.memory_space<semaphore_mem>>
    tpu.enqueue_indirect_dma source(%dma_start3A_14 : memref<26000000xf32, #tpu.memory_space<hbm>>) target(%dma_start3A_10 : memref<3328xf32, #tpu.memory_space<vmem>>) offsets(%dma_start3A_12 : memref<3328xi32, #tpu.memory_space<vmem>>) semaphore(%dma_start3A_16 : memref<!tpu.dma_semaphore, #tpu.memory_space<semaphore_mem>>)
    %dma_start3A_17 = arith.constant 1 : i32
    %dma_start3A_18 = arith.constant 3328 : i32
    %dma_start3A_19 = tpu.memref_slice %arg10[%dma_start3A_18] : memref<13312xf32, #tpu.memory_space<vmem>> -> memref<3328xf32, #tpu.memory_space<vmem>>
    %dma_start3A_20 = arith.constant 3328 : i32
    %dma_start3A_21 = tpu.memref_slice %arg8[%dma_start3A_20] : memref<13312xi32, #tpu.memory_space<vmem>> -> memref<3328xi32, #tpu.memory_space<vmem>>
    %dma_start3A_22 = arith.constant 0 : i32
    %dma_start3A_23 = tpu.memref_slice %arg6[%dma_start3A_22] : memref<26000000xf32, #tpu.memory_space<hbm>> -> memref<26000000xf32, #tpu.memory_space<hbm>>
    %dma_start3A_24 = tpu.memref_slice %arg14[%dma_start3A_17] : memref<4x!tpu.dma_semaphore, #tpu.memory_space<semaphore_mem>> -> memref<1x!tpu.dma_semaphore, #tpu.memory_space<semaphore_mem>>
    %dma_start3A_25 = tpu.memref_squeeze %dma_start3A_24 : memref<1x!tpu.dma_semaphore, #tpu.memory_space<semaphore_mem>> -> memref<!tpu.dma_semaphore, #tpu.memory_space<semaphore_mem>>
    tpu.enqueue_indirect_dma source(%dma_start3A_23 : memref<26000000xf32, #tpu.memory_space<hbm>>) target(%dma_start3A_19 : memref<3328xf32, #tpu.memory_space<vmem>>) offsets(%dma_start3A_21 : memref<3328xi32, #tpu.memory_space<vmem>>) semaphore(%dma_start3A_25 : memref<!tpu.dma_semaphore, #tpu.memory_space<semaphore_mem>>)
    %dma_start3A_26 = arith.constant 2 : i32
    %dma_start3A_27 = arith.constant 6656 : i32
    %dma_start3A_28 = tpu.memref_slice %arg10[%dma_start3A_27] : memref<13312xf32, #tpu.memory_space<vmem>> -> memref<3328xf32, #tpu.memory_space<vmem>>
    %dma_start3A_29 = arith.constant 6656 : i32
    %dma_start3A_30 = tpu.memref_slice %arg8[%dma_start3A_29] : memref<13312xi32, #tpu.memory_space<vmem>> -> memref<3328xi32, #tpu.memory_space<vmem>>
    %dma_start3A_31 = arith.constant 0 : i32
    %dma_start3A_32 = tpu.memref_slice %arg6[%dma_start3A_31] : memref<26000000xf32, #tpu.memory_space<hbm>> -> memref<26000000xf32, #tpu.memory_space<hbm>>
    %dma_start3A_33 = tpu.memref_slice %arg14[%dma_start3A_26] : memref<4x!tpu.dma_semaphore, #tpu.memory_space<semaphore_mem>> -> memref<1x!tpu.dma_semaphore, #tpu.memory_space<semaphore_mem>>
    %dma_start3A_34 = tpu.memref_squeeze %dma_start3A_33 : memref<1x!tpu.dma_semaphore, #tpu.memory_space<semaphore_mem>> -> memref<!tpu.dma_semaphore, #tpu.memory_space<semaphore_mem>>
    tpu.enqueue_indirect_dma source(%dma_start3A_32 : memref<26000000xf32, #tpu.memory_space<hbm>>) target(%dma_start3A_28 : memref<3328xf32, #tpu.memory_space<vmem>>) offsets(%dma_start3A_30 : memref<3328xi32, #tpu.memory_space<vmem>>) semaphore(%dma_start3A_34 : memref<!tpu.dma_semaphore, #tpu.memory_space<semaphore_mem>>)
    %dma_start3A_35 = arith.constant 3 : i32
    %dma_start3A_36 = arith.constant 9984 : i32
    %dma_start3A_37 = tpu.memref_slice %arg10[%dma_start3A_36] : memref<13312xf32, #tpu.memory_space<vmem>> -> memref<3328xf32, #tpu.memory_space<vmem>>
    %dma_start3A_38 = arith.constant 9984 : i32
    %dma_start3A_39 = tpu.memref_slice %arg8[%dma_start3A_38] : memref<13312xi32, #tpu.memory_space<vmem>> -> memref<3328xi32, #tpu.memory_space<vmem>>
    %dma_start3A_40 = arith.constant 0 : i32
    %dma_start3A_41 = tpu.memref_slice %arg6[%dma_start3A_40] : memref<26000000xf32, #tpu.memory_space<hbm>> -> memref<26000000xf32, #tpu.memory_space<hbm>>
    %dma_start3A_42 = tpu.memref_slice %arg14[%dma_start3A_35] : memref<4x!tpu.dma_semaphore, #tpu.memory_space<semaphore_mem>> -> memref<1x!tpu.dma_semaphore, #tpu.memory_space<semaphore_mem>>
    %dma_start3A_43 = tpu.memref_squeeze %dma_start3A_42 : memref<1x!tpu.dma_semaphore, #tpu.memory_space<semaphore_mem>> -> memref<!tpu.dma_semaphore, #tpu.memory_space<semaphore_mem>>
    tpu.enqueue_indirect_dma source(%dma_start3A_41 : memref<26000000xf32, #tpu.memory_space<hbm>>) target(%dma_start3A_37 : memref<3328xf32, #tpu.memory_space<vmem>>) offsets(%dma_start3A_39 : memref<3328xi32, #tpu.memory_space<vmem>>) semaphore(%dma_start3A_43 : memref<!tpu.dma_semaphore, #tpu.memory_space<semaphore_mem>>)
    %scan3A_44 = arith.constant 0 : i32
    %scan3A_45 = arith.constant 0 : i32
    %scan3A_46 = arith.constant 32 : i32
    %scan3A_47 = arith.addi %scan3A_45, %scan3A_46 : i32
    %scan3A_48 = arith.constant 1 : i32
    %scan3A_49 = scf.for %scan3A_93 = %scan3A_45 to %scan3A_47 step %scan3A_48 iter_args(%scan3A_94 = %scan3A_44) -> (i32)  : i32 {
      %mul3A_95 = arith.constant 16 : i32
      %mul3A_96 = arith.muli %scan3A_93, %mul3A_95 : i32
      %get3A = arith.constant 208 : index
      %get3A_97 = tpu.vector_load %arg12[%get3A] {strides = array<i32>} : memref<224xf32, #tpu.memory_space<vmem>>, vector<16xf32>,
      %get3A_98 = vector.shape_cast %get3A_97 : vector<16xf32> to vector<16xf32>
      %mul3A_99 = arith.constant 16 : i32
      %mul3A_100 = arith.muli %scan3A_93, %mul3A_99 : i32
      %add3A_101 = arith.constant 0 : i32
      %add3A_102 = arith.addi %add3A_101, %mul3A_100 : i32
      %get3A_103 = arith.index_cast %add3A_102 : i32 to index
      %get3A_104 = tpu.vector_load %arg11[%get3A_103] {strides = array<i32>} : memref<6656xf32, #tpu.memory_space<vmem>>, vector<16xf32>,
      %get3A_105 = vector.shape_cast %get3A_104 : vector<16xf32> to vector<16xf32>
      %get3A_106 = arith.constant 0 : index
      %get3A_107 = tpu.vector_load %arg12[%get3A_106] {strides = array<i32>} : memref<224xf32, #tpu.memory_space<vmem>>, vector<16xf32>,
      %get3A_108 = vector.shape_cast %get3A_107 : vector<16xf32> to vector<16xf32>
      %mul3A_109 = arith.mulf %get3A_105, %get3A_108 : vector<16xf32>
      %add3A_110 = arith.addf %get3A_98, %mul3A_109 : vector<16xf32>
      %mul3A_111 = arith.constant 16 : i32
      %mul3A_112 = arith.muli %scan3A_93, %mul3A_111 : i32
      %add3A_113 = arith.constant 512 : i32
      %add3A_114 = arith.addi %add3A_113, %mul3A_112 : i32
      %get3A_115 = arith.index_cast %add3A_114 : i32 to index
      %get3A_116 = tpu.vector_load %arg11[%get3A_115] {strides = array<i32>} : memref<6656xf32, #tpu.memory_space<vmem>>, vector<16xf32>,
      %get3A_117 = vector.shape_cast %get3A_116 : vector<16xf32> to vector<16xf32>
      %get3A_118 = arith.constant 16 : index
      %get3A_119 = tpu.vector_load %arg12[%get3A_118] {strides = array<i32>} : memref<224xf32, #tpu.memory_space<vmem>>, vector<16xf32>,
      %get3A_120 = vector.shape_cast %get3A_119 : vector<16xf32> to vector<16xf32>
      %mul3A_121 = arith.mulf %get3A_117, %get3A_120 : vector<16xf32>
      %add3A_122 = arith.addf %add3A_110, %mul3A_121 : vector<16xf32>
      %mul3A_123 = arith.constant 16 : i32
      %mul3A_124 = arith.muli %scan3A_93, %mul3A_123 : i32
      %add3A_125 = arith.constant 1024 : i32
      %add3A_126 = arith.addi %add3A_125, %mul3A_124 : i32
      %get3A_127 = arith.index_cast %add3A_126 : i32 to index
      %get3A_128 = tpu.vector_load %arg11[%get3A_127] {strides = array<i32>} : memref<6656xf32, #tpu.memory_space<vmem>>, vector<16xf32>,
      %get3A_129 = vector.shape_cast %get3A_128 : vector<16xf32> to vector<16xf32>
      %get3A_130 = arith.constant 32 : index
      %get3A_131 = tpu.vector_load %arg12[%get3A_130] {strides = array<i32>} : memref<224xf32, #tpu.memory_space<vmem>>, vector<16xf32>,
      %get3A_132 = vector.shape_cast %get3A_131 : vector<16xf32> to vector<16xf32>
      %mul3A_133 = arith.mulf %get3A_129, %get3A_132 : vector<16xf32>
      %add3A_134 = arith.addf %add3A_122, %mul3A_133 : vector<16xf32>
      %mul3A_135 = arith.constant 16 : i32
      %mul3A_136 = arith.muli %scan3A_93, %mul3A_135 : i32
      %add3A_137 = arith.constant 1536 : i32
      %add3A_138 = arith.addi %add3A_137, %mul3A_136 : i32
      %get3A_139 = arith.index_cast %add3A_138 : i32 to index
      %get3A_140 = tpu.vector_load %arg11[%get3A_139] {strides = array<i32>} : memref<6656xf32, #tpu.memory_space<vmem>>, vector<16xf32>,
      %get3A_141 = vector.shape_cast %get3A_140 : vector<16xf32> to vector<16xf32>
      %get3A_142 = arith.constant 48 : index
      %get3A_143 = tpu.vector_load %arg12[%get3A_142] {strides = array<i32>} : memref<224xf32, #tpu.memory_space<vmem>>, vector<16xf32>,
      %get3A_144 = vector.shape_cast %get3A_143 : vector<16xf32> to vector<16xf32>
      %mul3A_145 = arith.mulf %get3A_141, %get3A_144 : vector<16xf32>
      %add3A_146 = arith.addf %add3A_134, %mul3A_145 : vector<16xf32>
      %mul3A_147 = arith.constant 16 : i32
      %mul3A_148 = arith.muli %scan3A_93, %mul3A_147 : i32
      %add3A_149 = arith.constant 2048 : i32
      %add3A_150 = arith.addi %add3A_149, %mul3A_148 : i32
      %get3A_151 = arith.index_cast %add3A_150 : i32 to index
      %get3A_152 = tpu.vector_load %arg11[%get3A_151] {strides = array<i32>} : memref<6656xf32, #tpu.memory_space<vmem>>, vector<16xf32>,
      %get3A_153 = vector.shape_cast %get3A_152 : vector<16xf32> to vector<16xf32>
      %get3A_154 = arith.constant 64 : index
      %get3A_155 = tpu.vector_load %arg12[%get3A_154] {strides = array<i32>} : memref<224xf32, #tpu.memory_space<vmem>>, vector<16xf32>,
      %get3A_156 = vector.shape_cast %get3A_155 : vector<16xf32> to vector<16xf32>
      %mul3A_157 = arith.mulf %get3A_153, %get3A_156 : vector<16xf32>
      %add3A_158 = arith.addf %add3A_146, %mul3A_157 : vector<16xf32>
      %mul3A_159 = arith.constant 16 : i32
      %mul3A_160 = arith.muli %scan3A_93, %mul3A_159 : i32
      %add3A_161 = arith.constant 2560 : i32
      %add3A_162 = arith.addi %add3A_161, %mul3A_160 : i32
      %get3A_163 = arith.index_cast %add3A_162 : i32 to index
      %get3A_164 = tpu.vector_load %arg11[%get3A_163] {strides = array<i32>} : memref<6656xf32, #tpu.memory_space<vmem>>, vector<16xf32>,
      %get3A_165 = vector.shape_cast %get3A_164 : vector<16xf32> to vector<16xf32>
      %get3A_166 = arith.constant 80 : index
      %get3A_167 = tpu.vector_load %arg12[%get3A_166] {strides = array<i32>} : memref<224xf32, #tpu.memory_space<vmem>>, vector<16xf32>,
      %get3A_168 = vector.shape_cast %get3A_167 : vector<16xf32> to vector<16xf32>
      %mul3A_169 = arith.mulf %get3A_165, %get3A_168 : vector<16xf32>
      %add3A_170 = arith.addf %add3A_158, %mul3A_169 : vector<16xf32>
      %mul3A_171 = arith.constant 16 : i32
      %mul3A_172 = arith.muli %scan3A_93, %mul3A_171 : i32
      %add3A_173 = arith.constant 3072 : i32
      %add3A_174 = arith.addi %add3A_173, %mul3A_172 : i32
      %get3A_175 = arith.index_cast %add3A_174 : i32 to index
      %get3A_176 = tpu.vector_load %arg11[%get3A_175] {strides = array<i32>} : memref<6656xf32, #tpu.memory_space<vmem>>, vector<16xf32>,
      %get3A_177 = vector.shape_cast %get3A_176 : vector<16xf32> to vector<16xf32>
      %get3A_178 = arith.constant 96 : index
      %get3A_179 = tpu.vector_load %arg12[%get3A_178] {strides = array<i32>} : memref<224xf32, #tpu.memory_space<vmem>>, vector<16xf32>,
      %get3A_180 = vector.shape_cast %get3A_179 : vector<16xf32> to vector<16xf32>
      %mul3A_181 = arith.mulf %get3A_177, %get3A_180 : vector<16xf32>
      %add3A_182 = arith.addf %add3A_170, %mul3A_181 : vector<16xf32>
      %mul3A_183 = arith.constant 16 : i32
      %mul3A_184 = arith.muli %scan3A_93, %mul3A_183 : i32
      %add3A_185 = arith.constant 3584 : i32
      %add3A_186 = arith.addi %add3A_185, %mul3A_184 : i32
      %get3A_187 = arith.index_cast %add3A_186 : i32 to index
      %get3A_188 = tpu.vector_load %arg11[%get3A_187] {strides = array<i32>} : memref<6656xf32, #tpu.memory_space<vmem>>, vector<16xf32>,
      %get3A_189 = vector.shape_cast %get3A_188 : vector<16xf32> to vector<16xf32>
      %get3A_190 = arith.constant 112 : index
      %get3A_191 = tpu.vector_load %arg12[%get3A_190] {strides = array<i32>} : memref<224xf32, #tpu.memory_space<vmem>>, vector<16xf32>,
      %get3A_192 = vector.shape_cast %get3A_191 : vector<16xf32> to vector<16xf32>
      %mul3A_193 = arith.mulf %get3A_189, %get3A_192 : vector<16xf32>
      %add3A_194 = arith.addf %add3A_182, %mul3A_193 : vector<16xf32>
      %mul3A_195 = arith.constant 16 : i32
      %mul3A_196 = arith.muli %scan3A_93, %mul3A_195 : i32
      %add3A_197 = arith.constant 4096 : i32
      %add3A_198 = arith.addi %add3A_197, %mul3A_196 : i32
      %get3A_199 = arith.index_cast %add3A_198 : i32 to index
      %get3A_200 = tpu.vector_load %arg11[%get3A_199] {strides = array<i32>} : memref<6656xf32, #tpu.memory_space<vmem>>, vector<16xf32>,
      %get3A_201 = vector.shape_cast %get3A_200 : vector<16xf32> to vector<16xf32>
      %get3A_202 = arith.constant 128 : index
      %get3A_203 = tpu.vector_load %arg12[%get3A_202] {strides = array<i32>} : memref<224xf32, #tpu.memory_space<vmem>>, vector<16xf32>,
      %get3A_204 = vector.shape_cast %get3A_203 : vector<16xf32> to vector<16xf32>
      %mul3A_205 = arith.mulf %get3A_201, %get3A_204 : vector<16xf32>
      %add3A_206 = arith.addf %add3A_194, %mul3A_205 : vector<16xf32>
      %mul3A_207 = arith.constant 16 : i32
      %mul3A_208 = arith.muli %scan3A_93, %mul3A_207 : i32
      %add3A_209 = arith.constant 4608 : i32
      %add3A_210 = arith.addi %add3A_209, %mul3A_208 : i32
      %get3A_211 = arith.index_cast %add3A_210 : i32 to index
      %get3A_212 = tpu.vector_load %arg11[%get3A_211] {strides = array<i32>} : memref<6656xf32, #tpu.memory_space<vmem>>, vector<16xf32>,
      %get3A_213 = vector.shape_cast %get3A_212 : vector<16xf32> to vector<16xf32>
      %get3A_214 = arith.constant 144 : index
      %get3A_215 = tpu.vector_load %arg12[%get3A_214] {strides = array<i32>} : memref<224xf32, #tpu.memory_space<vmem>>, vector<16xf32>,
      %get3A_216 = vector.shape_cast %get3A_215 : vector<16xf32> to vector<16xf32>
      %mul3A_217 = arith.mulf %get3A_213, %get3A_216 : vector<16xf32>
      %add3A_218 = arith.addf %add3A_206, %mul3A_217 : vector<16xf32>
      %mul3A_219 = arith.constant 16 : i32
      %mul3A_220 = arith.muli %scan3A_93, %mul3A_219 : i32
      %add3A_221 = arith.constant 5120 : i32
      %add3A_222 = arith.addi %add3A_221, %mul3A_220 : i32
      %get3A_223 = arith.index_cast %add3A_222 : i32 to index
      %get3A_224 = tpu.vector_load %arg11[%get3A_223] {strides = array<i32>} : memref<6656xf32, #tpu.memory_space<vmem>>, vector<16xf32>,
      %get3A_225 = vector.shape_cast %get3A_224 : vector<16xf32> to vector<16xf32>
      %get3A_226 = arith.constant 160 : index
      %get3A_227 = tpu.vector_load %arg12[%get3A_226] {strides = array<i32>} : memref<224xf32, #tpu.memory_space<vmem>>, vector<16xf32>,
      %get3A_228 = vector.shape_cast %get3A_227 : vector<16xf32> to vector<16xf32>
      %mul3A_229 = arith.mulf %get3A_225, %get3A_228 : vector<16xf32>
      %add3A_230 = arith.addf %add3A_218, %mul3A_229 : vector<16xf32>
      %mul3A_231 = arith.constant 16 : i32
      %mul3A_232 = arith.muli %scan3A_93, %mul3A_231 : i32
      %add3A_233 = arith.constant 5632 : i32
      %add3A_234 = arith.addi %add3A_233, %mul3A_232 : i32
      %get3A_235 = arith.index_cast %add3A_234 : i32 to index
      %get3A_236 = tpu.vector_load %arg11[%get3A_235] {strides = array<i32>} : memref<6656xf32, #tpu.memory_space<vmem>>, vector<16xf32>,
      %get3A_237 = vector.shape_cast %get3A_236 : vector<16xf32> to vector<16xf32>
      %get3A_238 = arith.constant 176 : index
      %get3A_239 = tpu.vector_load %arg12[%get3A_238] {strides = array<i32>} : memref<224xf32, #tpu.memory_space<vmem>>, vector<16xf32>,
      %get3A_240 = vector.shape_cast %get3A_239 : vector<16xf32> to vector<16xf32>
      %mul3A_241 = arith.mulf %get3A_237, %get3A_240 : vector<16xf32>
      %add3A_242 = arith.addf %add3A_230, %mul3A_241 : vector<16xf32>
      %mul3A_243 = arith.constant 16 : i32
      %mul3A_244 = arith.muli %scan3A_93, %mul3A_243 : i32
      %add3A_245 = arith.constant 6144 : i32
      %add3A_246 = arith.addi %add3A_245, %mul3A_244 : i32
      %get3A_247 = arith.index_cast %add3A_246 : i32 to index
      %get3A_248 = tpu.vector_load %arg11[%get3A_247] {strides = array<i32>} : memref<6656xf32, #tpu.memory_space<vmem>>, vector<16xf32>,
      %get3A_249 = vector.shape_cast %get3A_248 : vector<16xf32> to vector<16xf32>
      %get3A_250 = arith.constant 192 : index
      %get3A_251 = tpu.vector_load %arg12[%get3A_250] {strides = array<i32>} : memref<224xf32, #tpu.memory_space<vmem>>, vector<16xf32>,
      %get3A_252 = vector.shape_cast %get3A_251 : vector<16xf32> to vector<16xf32>
      %mul3A_253 = arith.mulf %get3A_249, %get3A_252 : vector<16xf32>
      %add3A_254 = arith.addf %add3A_242, %mul3A_253 : vector<16xf32>
      %swap3A = arith.index_cast %mul3A_96 : i32 to index
      %swap3A_255 = tpu.vector_load %arg13[%swap3A] {strides = array<i32>} : memref<512xf32, #tpu.memory_space<vmem>>, vector<16xf32>,
      %swap3A_256 = vector.shape_cast %swap3A_255 : vector<16xf32> to vector<16xf32>
      %swap3A_257 = vector.shape_cast %add3A_254 : vector<16xf32> to vector<16xf32>
      tpu.vector_store %arg13[%swap3A], %swap3A_257 {strides = array<i32>} : memref<512xf32, #tpu.memory_space<vmem>>, vector<16xf32>,
      %scan3A_258 = arith.constant 0 : i32
      scf.yield %scan3A_258 : i32
    }
    %scan3A_50 = arith.constant 32 : i32
    %dma_wait3A = arith.constant 0 : i32
    %dma_wait3A_51 = arith.constant 0 : i32
    %dma_wait3A_52 = tpu.memref_slice %arg10[%dma_wait3A_51] : memref<13312xf32, #tpu.memory_space<vmem>> -> memref<3328xf32, #tpu.memory_space<vmem>>
    %dma_wait3A_53 = arith.constant 0 : i32
    %dma_wait3A_54 = tpu.memref_slice %arg8[%dma_wait3A_53] : memref<13312xi32, #tpu.memory_space<vmem>> -> memref<3328xi32, #tpu.memory_space<vmem>>
    %dma_wait3A_55 = arith.constant 0 : i32
    %dma_wait3A_56 = tpu.memref_slice %arg6[%dma_wait3A_55] : memref<26000000xf32, #tpu.memory_space<hbm>> -> memref<26000000xf32, #tpu.memory_space<hbm>>
    %dma_wait3A_57 = tpu.memref_slice %arg14[%dma_wait3A] : memref<4x!tpu.dma_semaphore, #tpu.memory_space<semaphore_mem>> -> memref<1x!tpu.dma_semaphore, #tpu.memory_space<semaphore_mem>>
    %dma_wait3A_58 = tpu.memref_squeeze %dma_wait3A_57 : memref<1x!tpu.dma_semaphore, #tpu.memory_space<semaphore_mem>> -> memref<!tpu.dma_semaphore, #tpu.memory_space<semaphore_mem>>
    tpu.wait_indirect_dma semaphore(%dma_wait3A_58 : memref<!tpu.dma_semaphore, #tpu.memory_space<semaphore_mem>>) src(%dma_wait3A_56 : memref<26000000xf32, #tpu.memory_space<hbm>>) dst(%dma_wait3A_52 : memref<3328xf32, #tpu.memory_space<vmem>>)
    %dma_wait3A_59 = arith.constant 1 : i32
    %dma_wait3A_60 = arith.constant 3328 : i32
    %dma_wait3A_61 = tpu.memref_slice %arg10[%dma_wait3A_60] : memref<13312xf32, #tpu.memory_space<vmem>> -> memref<3328xf32, #tpu.memory_space<vmem>>
    %dma_wait3A_62 = arith.constant 3328 : i32
    %dma_wait3A_63 = tpu.memref_slice %arg8[%dma_wait3A_62] : memref<13312xi32, #tpu.memory_space<vmem>> -> memref<3328xi32, #tpu.memory_space<vmem>>
    %dma_wait3A_64 = arith.constant 0 : i32
    %dma_wait3A_65 = tpu.memref_slice %arg6[%dma_wait3A_64] : memref<26000000xf32, #tpu.memory_space<hbm>> -> memref<26000000xf32, #tpu.memory_space<hbm>>
    %dma_wait3A_66 = tpu.memref_slice %arg14[%dma_wait3A_59] : memref<4x!tpu.dma_semaphore, #tpu.memory_space<semaphore_mem>> -> memref<1x!tpu.dma_semaphore, #tpu.memory_space<semaphore_mem>>
    %dma_wait3A_67 = tpu.memref_squeeze %dma_wait3A_66 : memref<1x!tpu.dma_semaphore, #tpu.memory_space<semaphore_mem>> -> memref<!tpu.dma_semaphore, #tpu.memory_space<semaphore_mem>>
    tpu.wait_indirect_dma semaphore(%dma_wait3A_67 : memref<!tpu.dma_semaphore, #tpu.memory_space<semaphore_mem>>) src(%dma_wait3A_65 : memref<26000000xf32, #tpu.memory_space<hbm>>) dst(%dma_wait3A_61 : memref<3328xf32, #tpu.memory_space<vmem>>)
    %dma_wait3A_68 = arith.constant 2 : i32
    %dma_wait3A_69 = arith.constant 6656 : i32
    %dma_wait3A_70 = tpu.memref_slice %arg10[%dma_wait3A_69] : memref<13312xf32, #tpu.memory_space<vmem>> -> memref<3328xf32, #tpu.memory_space<vmem>>
    %dma_wait3A_71 = arith.constant 6656 : i32
    %dma_wait3A_72 = tpu.memref_slice %arg8[%dma_wait3A_71] : memref<13312xi32, #tpu.memory_space<vmem>> -> memref<3328xi32, #tpu.memory_space<vmem>>
    %dma_wait3A_73 = arith.constant 0 : i32
    %dma_wait3A_74 = tpu.memref_slice %arg6[%dma_wait3A_73] : memref<26000000xf32, #tpu.memory_space<hbm>> -> memref<26000000xf32, #tpu.memory_space<hbm>>
    %dma_wait3A_75 = tpu.memref_slice %arg14[%dma_wait3A_68] : memref<4x!tpu.dma_semaphore, #tpu.memory_space<semaphore_mem>> -> memref<1x!tpu.dma_semaphore, #tpu.memory_space<semaphore_mem>>
    %dma_wait3A_76 = tpu.memref_squeeze %dma_wait3A_75 : memref<1x!tpu.dma_semaphore, #tpu.memory_space<semaphore_mem>> -> memref<!tpu.dma_semaphore, #tpu.memory_space<semaphore_mem>>
    tpu.wait_indirect_dma semaphore(%dma_wait3A_76 : memref<!tpu.dma_semaphore, #tpu.memory_space<semaphore_mem>>) src(%dma_wait3A_74 : memref<26000000xf32, #tpu.memory_space<hbm>>) dst(%dma_wait3A_70 : memref<3328xf32, #tpu.memory_space<vmem>>)
    %dma_wait3A_77 = arith.constant 3 : i32
    %dma_wait3A_78 = arith.constant 9984 : i32
    %dma_wait3A_79 = tpu.memref_slice %arg10[%dma_wait3A_78] : memref<13312xf32, #tpu.memory_space<vmem>> -> memref<3328xf32, #tpu.memory_space<vmem>>
    %dma_wait3A_80 = arith.constant 9984 : i32
    %dma_wait3A_81 = tpu.memref_slice %arg8[%dma_wait3A_80] : memref<13312xi32, #tpu.memory_space<vmem>> -> memref<3328xi32, #tpu.memory_space<vmem>>
    %dma_wait3A_82 = arith.constant 0 : i32
    %dma_wait3A_83 = tpu.memref_slice %arg6[%dma_wait3A_82] : memref<26000000xf32, #tpu.memory_space<hbm>> -> memref<26000000xf32, #tpu.memory_space<hbm>>
    %dma_wait3A_84 = tpu.memref_slice %arg14[%dma_wait3A_77] : memref<4x!tpu.dma_semaphore, #tpu.memory_space<semaphore_mem>> -> memref<1x!tpu.dma_semaphore, #tpu.memory_space<semaphore_mem>>
    %dma_wait3A_85 = tpu.memref_squeeze %dma_wait3A_84 : memref<1x!tpu.dma_semaphore, #tpu.memory_space<semaphore_mem>> -> memref<!tpu.dma_semaphore, #tpu.memory_space<semaphore_mem>>
    tpu.wait_indirect_dma semaphore(%dma_wait3A_85 : memref<!tpu.dma_semaphore, #tpu.memory_space<semaphore_mem>>) src(%dma_wait3A_83 : memref<26000000xf32, #tpu.memory_space<hbm>>) dst(%dma_wait3A_79 : memref<3328xf32, #tpu.memory_space<vmem>>)
    %scan3A_86 = arith.constant 0 : i32
    %scan3A_87 = arith.constant 0 : i32
    %scan3A_88 = arith.constant 32 : i32
    %scan3A_89 = arith.addi %scan3A_87, %scan3A_88 : i32
    %scan3A_90 = arith.constant 1 : i32
    %scan3A_91 = scf.for %scan3A_93 = %scan3A_87 to %scan3A_89 step %scan3A_90 iter_args(%scan3A_94 = %scan3A_86) -> (i32)  : i32 {
      %mul3A_95 = arith.constant 16 : i32
      %mul3A_96 = arith.muli %scan3A_93, %mul3A_95 : i32
      %get3A = arith.index_cast %mul3A_96 : i32 to index
      %get3A_97 = tpu.vector_load %arg13[%get3A] {strides = array<i32>} : memref<512xf32, #tpu.memory_space<vmem>>, vector<16xf32>,
      %get3A_98 = vector.shape_cast %get3A_97 : vector<16xf32> to vector<16xf32>
      %mul3A_99 = arith.constant 16 : i32
      %mul3A_100 = arith.muli %scan3A_93, %mul3A_99 : i32
      %add3A_101 = arith.constant 0 : i32
      %add3A_102 = arith.addi %add3A_101, %mul3A_100 : i32
      %get3A_103 = arith.index_cast %add3A_102 : i32 to index
      %get3A_104 = tpu.vector_load %arg10[%get3A_103] {strides = array<i32>} : memref<13312xf32, #tpu.memory_space<vmem>>, vector<16xf32>,
      %get3A_105 = vector.shape_cast %get3A_104 : vector<16xf32> to vector<16xf32>
      %add3A_106 = arith.addf %get3A_98, %get3A_105 : vector<16xf32>
      %mul3A_107 = arith.constant 16 : i32
      %mul3A_108 = arith.muli %scan3A_93, %mul3A_107 : i32
      %add3A_109 = arith.constant 512 : i32
      %add3A_110 = arith.addi %add3A_109, %mul3A_108 : i32
      %get3A_111 = arith.index_cast %add3A_110 : i32 to index
      %get3A_112 = tpu.vector_load %arg10[%get3A_111] {strides = array<i32>} : memref<13312xf32, #tpu.memory_space<vmem>>, vector<16xf32>,
      %get3A_113 = vector.shape_cast %get3A_112 : vector<16xf32> to vector<16xf32>
      %add3A_114 = arith.addf %add3A_106, %get3A_113 : vector<16xf32>
      %mul3A_115 = arith.constant 16 : i32
      %mul3A_116 = arith.muli %scan3A_93, %mul3A_115 : i32
      %add3A_117 = arith.constant 1024 : i32
      %add3A_118 = arith.addi %add3A_117, %mul3A_116 : i32
      %get3A_119 = arith.index_cast %add3A_118 : i32 to index
      %get3A_120 = tpu.vector_load %arg10[%get3A_119] {strides = array<i32>} : memref<13312xf32, #tpu.memory_space<vmem>>, vector<16xf32>,
      %get3A_121 = vector.shape_cast %get3A_120 : vector<16xf32> to vector<16xf32>
      %add3A_122 = arith.addf %add3A_114, %get3A_121 : vector<16xf32>
      %mul3A_123 = arith.constant 16 : i32
      %mul3A_124 = arith.muli %scan3A_93, %mul3A_123 : i32
      %add3A_125 = arith.constant 1536 : i32
      %add3A_126 = arith.addi %add3A_125, %mul3A_124 : i32
      %get3A_127 = arith.index_cast %add3A_126 : i32 to index
      %get3A_128 = tpu.vector_load %arg10[%get3A_127] {strides = array<i32>} : memref<13312xf32, #tpu.memory_space<vmem>>, vector<16xf32>,
      %get3A_129 = vector.shape_cast %get3A_128 : vector<16xf32> to vector<16xf32>
      %add3A_130 = arith.addf %add3A_122, %get3A_129 : vector<16xf32>
      %mul3A_131 = arith.constant 16 : i32
      %mul3A_132 = arith.muli %scan3A_93, %mul3A_131 : i32
      %add3A_133 = arith.constant 2048 : i32
      %add3A_134 = arith.addi %add3A_133, %mul3A_132 : i32
      %get3A_135 = arith.index_cast %add3A_134 : i32 to index
      %get3A_136 = tpu.vector_load %arg10[%get3A_135] {strides = array<i32>} : memref<13312xf32, #tpu.memory_space<vmem>>, vector<16xf32>,
      %get3A_137 = vector.shape_cast %get3A_136 : vector<16xf32> to vector<16xf32>
      %add3A_138 = arith.addf %add3A_130, %get3A_137 : vector<16xf32>
      %mul3A_139 = arith.constant 16 : i32
      %mul3A_140 = arith.muli %scan3A_93, %mul3A_139 : i32
      %add3A_141 = arith.constant 2560 : i32
      %add3A_142 = arith.addi %add3A_141, %mul3A_140 : i32
      %get3A_143 = arith.index_cast %add3A_142 : i32 to index
      %get3A_144 = tpu.vector_load %arg10[%get3A_143] {strides = array<i32>} : memref<13312xf32, #tpu.memory_space<vmem>>, vector<16xf32>,
      %get3A_145 = vector.shape_cast %get3A_144 : vector<16xf32> to vector<16xf32>
      %add3A_146 = arith.addf %add3A_138, %get3A_145 : vector<16xf32>
      %mul3A_147 = arith.constant 16 : i32
      %mul3A_148 = arith.muli %scan3A_93, %mul3A_147 : i32
      %add3A_149 = arith.constant 3072 : i32
      %add3A_150 = arith.addi %add3A_149, %mul3A_148 : i32
      %get3A_151 = arith.index_cast %add3A_150 : i32 to index
      %get3A_152 = tpu.vector_load %arg10[%get3A_151] {strides = array<i32>} : memref<13312xf32, #tpu.memory_space<vmem>>, vector<16xf32>,
      %get3A_153 = vector.shape_cast %get3A_152 : vector<16xf32> to vector<16xf32>
      %add3A_154 = arith.addf %add3A_146, %get3A_153 : vector<16xf32>
      %mul3A_155 = arith.constant 16 : i32
      %mul3A_156 = arith.muli %scan3A_93, %mul3A_155 : i32
      %add3A_157 = arith.constant 3584 : i32
      %add3A_158 = arith.addi %add3A_157, %mul3A_156 : i32
      %get3A_159 = arith.index_cast %add3A_158 : i32 to index
      %get3A_160 = tpu.vector_load %arg10[%get3A_159] {strides = array<i32>} : memref<13312xf32, #tpu.memory_space<vmem>>, vector<16xf32>,
      %get3A_161 = vector.shape_cast %get3A_160 : vector<16xf32> to vector<16xf32>
      %add3A_162 = arith.addf %add3A_154, %get3A_161 : vector<16xf32>
      %mul3A_163 = arith.constant 16 : i32
      %mul3A_164 = arith.muli %scan3A_93, %mul3A_163 : i32
      %add3A_165 = arith.constant 4096 : i32
      %add3A_166 = arith.addi %add3A_165, %mul3A_164 : i32
      %get3A_167 = arith.index_cast %add3A_166 : i32 to index
      %get3A_168 = tpu.vector_load %arg10[%get3A_167] {strides = array<i32>} : memref<13312xf32, #tpu.memory_space<vmem>>, vector<16xf32>,
      %get3A_169 = vector.shape_cast %get3A_168 : vector<16xf32> to vector<16xf32>
      %add3A_170 = arith.addf %add3A_162, %get3A_169 : vector<16xf32>
      %mul3A_171 = arith.constant 16 : i32
      %mul3A_172 = arith.muli %scan3A_93, %mul3A_171 : i32
      %add3A_173 = arith.constant 4608 : i32
      %add3A_174 = arith.addi %add3A_173, %mul3A_172 : i32
      %get3A_175 = arith.index_cast %add3A_174 : i32 to index
      %get3A_176 = tpu.vector_load %arg10[%get3A_175] {strides = array<i32>} : memref<13312xf32, #tpu.memory_space<vmem>>, vector<16xf32>,
      %get3A_177 = vector.shape_cast %get3A_176 : vector<16xf32> to vector<16xf32>
      %add3A_178 = arith.addf %add3A_170, %get3A_177 : vector<16xf32>
      %mul3A_179 = arith.constant 16 : i32
      %mul3A_180 = arith.muli %scan3A_93, %mul3A_179 : i32
      %add3A_181 = arith.constant 5120 : i32
      %add3A_182 = arith.addi %add3A_181, %mul3A_180 : i32
      %get3A_183 = arith.index_cast %add3A_182 : i32 to index
      %get3A_184 = tpu.vector_load %arg10[%get3A_183] {strides = array<i32>} : memref<13312xf32, #tpu.memory_space<vmem>>, vector<16xf32>,
      %get3A_185 = vector.shape_cast %get3A_184 : vector<16xf32> to vector<16xf32>
      %add3A_186 = arith.addf %add3A_178, %get3A_185 : vector<16xf32>
      %mul3A_187 = arith.constant 16 : i32
      %mul3A_188 = arith.muli %scan3A_93, %mul3A_187 : i32
      %add3A_189 = arith.constant 5632 : i32
      %add3A_190 = arith.addi %add3A_189, %mul3A_188 : i32
      %get3A_191 = arith.index_cast %add3A_190 : i32 to index
      %get3A_192 = tpu.vector_load %arg10[%get3A_191] {strides = array<i32>} : memref<13312xf32, #tpu.memory_space<vmem>>, vector<16xf32>,
      %get3A_193 = vector.shape_cast %get3A_192 : vector<16xf32> to vector<16xf32>
      %add3A_194 = arith.addf %add3A_186, %get3A_193 : vector<16xf32>
      %mul3A_195 = arith.constant 16 : i32
      %mul3A_196 = arith.muli %scan3A_93, %mul3A_195 : i32
      %add3A_197 = arith.constant 6144 : i32
      %add3A_198 = arith.addi %add3A_197, %mul3A_196 : i32
      %get3A_199 = arith.index_cast %add3A_198 : i32 to index
      %get3A_200 = tpu.vector_load %arg10[%get3A_199] {strides = array<i32>} : memref<13312xf32, #tpu.memory_space<vmem>>, vector<16xf32>,
      %get3A_201 = vector.shape_cast %get3A_200 : vector<16xf32> to vector<16xf32>
      %add3A_202 = arith.addf %add3A_194, %get3A_201 : vector<16xf32>
      %mul3A_203 = arith.constant 16 : i32
      %mul3A_204 = arith.muli %scan3A_93, %mul3A_203 : i32
      %add3A_205 = arith.constant 6656 : i32
      %add3A_206 = arith.addi %add3A_205, %mul3A_204 : i32
      %get3A_207 = arith.index_cast %add3A_206 : i32 to index
      %get3A_208 = tpu.vector_load %arg10[%get3A_207] {strides = array<i32>} : memref<13312xf32, #tpu.memory_space<vmem>>, vector<16xf32>,
      %get3A_209 = vector.shape_cast %get3A_208 : vector<16xf32> to vector<16xf32>
      %add3A_210 = arith.addf %add3A_202, %get3A_209 : vector<16xf32>
      %mul3A_211 = arith.constant 16 : i32
      %mul3A_212 = arith.muli %scan3A_93, %mul3A_211 : i32
      %add3A_213 = arith.constant 7168 : i32
      %add3A_214 = arith.addi %add3A_213, %mul3A_212 : i32
      %get3A_215 = arith.index_cast %add3A_214 : i32 to index
      %get3A_216 = tpu.vector_load %arg10[%get3A_215] {strides = array<i32>} : memref<13312xf32, #tpu.memory_space<vmem>>, vector<16xf32>,
      %get3A_217 = vector.shape_cast %get3A_216 : vector<16xf32> to vector<16xf32>
      %add3A_218 = arith.addf %add3A_210, %get3A_217 : vector<16xf32>
      %mul3A_219 = arith.constant 16 : i32
      %mul3A_220 = arith.muli %scan3A_93, %mul3A_219 : i32
      %add3A_221 = arith.constant 7680 : i32
      %add3A_222 = arith.addi %add3A_221, %mul3A_220 : i32
      %get3A_223 = arith.index_cast %add3A_222 : i32 to index
      %get3A_224 = tpu.vector_load %arg10[%get3A_223] {strides = array<i32>} : memref<13312xf32, #tpu.memory_space<vmem>>, vector<16xf32>,
      %get3A_225 = vector.shape_cast %get3A_224 : vector<16xf32> to vector<16xf32>
      %add3A_226 = arith.addf %add3A_218, %get3A_225 : vector<16xf32>
      %mul3A_227 = arith.constant 16 : i32
      %mul3A_228 = arith.muli %scan3A_93, %mul3A_227 : i32
      %add3A_229 = arith.constant 8192 : i32
      %add3A_230 = arith.addi %add3A_229, %mul3A_228 : i32
      %get3A_231 = arith.index_cast %add3A_230 : i32 to index
      %get3A_232 = tpu.vector_load %arg10[%get3A_231] {strides = array<i32>} : memref<13312xf32, #tpu.memory_space<vmem>>, vector<16xf32>,
      %get3A_233 = vector.shape_cast %get3A_232 : vector<16xf32> to vector<16xf32>
      %add3A_234 = arith.addf %add3A_226, %get3A_233 : vector<16xf32>
      %mul3A_235 = arith.constant 16 : i32
      %mul3A_236 = arith.muli %scan3A_93, %mul3A_235 : i32
      %add3A_237 = arith.constant 8704 : i32
      %add3A_238 = arith.addi %add3A_237, %mul3A_236 : i32
      %get3A_239 = arith.index_cast %add3A_238 : i32 to index
      %get3A_240 = tpu.vector_load %arg10[%get3A_239] {strides = array<i32>} : memref<13312xf32, #tpu.memory_space<vmem>>, vector<16xf32>,
      %get3A_241 = vector.shape_cast %get3A_240 : vector<16xf32> to vector<16xf32>
      %add3A_242 = arith.addf %add3A_234, %get3A_241 : vector<16xf32>
      %mul3A_243 = arith.constant 16 : i32
      %mul3A_244 = arith.muli %scan3A_93, %mul3A_243 : i32
      %add3A_245 = arith.constant 9216 : i32
      %add3A_246 = arith.addi %add3A_245, %mul3A_244 : i32
      %get3A_247 = arith.index_cast %add3A_246 : i32 to index
      %get3A_248 = tpu.vector_load %arg10[%get3A_247] {strides = array<i32>} : memref<13312xf32, #tpu.memory_space<vmem>>, vector<16xf32>,
      %get3A_249 = vector.shape_cast %get3A_248 : vector<16xf32> to vector<16xf32>
      %add3A_250 = arith.addf %add3A_242, %get3A_249 : vector<16xf32>
      %mul3A_251 = arith.constant 16 : i32
      %mul3A_252 = arith.muli %scan3A_93, %mul3A_251 : i32
      %add3A_253 = arith.constant 9728 : i32
      %add3A_254 = arith.addi %add3A_253, %mul3A_252 : i32
      %get3A_255 = arith.index_cast %add3A_254 : i32 to index
      %get3A_256 = tpu.vector_load %arg10[%get3A_255] {strides = array<i32>} : memref<13312xf32, #tpu.memory_space<vmem>>, vector<16xf32>,
      %get3A_257 = vector.shape_cast %get3A_256 : vector<16xf32> to vector<16xf32>
      %add3A_258 = arith.addf %add3A_250, %get3A_257 : vector<16xf32>
      %mul3A_259 = arith.constant 16 : i32
      %mul3A_260 = arith.muli %scan3A_93, %mul3A_259 : i32
      %add3A_261 = arith.constant 10240 : i32
      %add3A_262 = arith.addi %add3A_261, %mul3A_260 : i32
      %get3A_263 = arith.index_cast %add3A_262 : i32 to index
      %get3A_264 = tpu.vector_load %arg10[%get3A_263] {strides = array<i32>} : memref<13312xf32, #tpu.memory_space<vmem>>, vector<16xf32>,
      %get3A_265 = vector.shape_cast %get3A_264 : vector<16xf32> to vector<16xf32>
      %add3A_266 = arith.addf %add3A_258, %get3A_265 : vector<16xf32>
      %mul3A_267 = arith.constant 16 : i32
      %mul3A_268 = arith.muli %scan3A_93, %mul3A_267 : i32
      %add3A_269 = arith.constant 10752 : i32
      %add3A_270 = arith.addi %add3A_269, %mul3A_268 : i32
      %get3A_271 = arith.index_cast %add3A_270 : i32 to index
      %get3A_272 = tpu.vector_load %arg10[%get3A_271] {strides = array<i32>} : memref<13312xf32, #tpu.memory_space<vmem>>, vector<16xf32>,
      %get3A_273 = vector.shape_cast %get3A_272 : vector<16xf32> to vector<16xf32>
      %add3A_274 = arith.addf %add3A_266, %get3A_273 : vector<16xf32>
      %mul3A_275 = arith.constant 16 : i32
      %mul3A_276 = arith.muli %scan3A_93, %mul3A_275 : i32
      %add3A_277 = arith.constant 11264 : i32
      %add3A_278 = arith.addi %add3A_277, %mul3A_276 : i32
      %get3A_279 = arith.index_cast %add3A_278 : i32 to index
      %get3A_280 = tpu.vector_load %arg10[%get3A_279] {strides = array<i32>} : memref<13312xf32, #tpu.memory_space<vmem>>, vector<16xf32>,
      %get3A_281 = vector.shape_cast %get3A_280 : vector<16xf32> to vector<16xf32>
      %add3A_282 = arith.addf %add3A_274, %get3A_281 : vector<16xf32>
      %mul3A_283 = arith.constant 16 : i32
      %mul3A_284 = arith.muli %scan3A_93, %mul3A_283 : i32
      %add3A_285 = arith.constant 11776 : i32
      %add3A_286 = arith.addi %add3A_285, %mul3A_284 : i32
      %get3A_287 = arith.index_cast %add3A_286 : i32 to index
      %get3A_288 = tpu.vector_load %arg10[%get3A_287] {strides = array<i32>} : memref<13312xf32, #tpu.memory_space<vmem>>, vector<16xf32>,
      %get3A_289 = vector.shape_cast %get3A_288 : vector<16xf32> to vector<16xf32>
      %add3A_290 = arith.addf %add3A_282, %get3A_289 : vector<16xf32>
      %mul3A_291 = arith.constant 16 : i32
      %mul3A_292 = arith.muli %scan3A_93, %mul3A_291 : i32
      %add3A_293 = arith.constant 12288 : i32
      %add3A_294 = arith.addi %add3A_293, %mul3A_292 : i32
      %get3A_295 = arith.index_cast %add3A_294 : i32 to index
      %get3A_296 = tpu.vector_load %arg10[%get3A_295] {strides = array<i32>} : memref<13312xf32, #tpu.memory_space<vmem>>, vector<16xf32>,
      %get3A_297 = vector.shape_cast %get3A_296 : vector<16xf32> to vector<16xf32>
      %add3A_298 = arith.addf %add3A_290, %get3A_297 : vector<16xf32>
      %mul3A_299 = arith.constant 16 : i32
      %mul3A_300 = arith.muli %scan3A_93, %mul3A_299 : i32
      %add3A_301 = arith.constant 12800 : i32
      %add3A_302 = arith.addi %add3A_301, %mul3A_300 : i32
      %get3A_303 = arith.index_cast %add3A_302 : i32 to index
      %get3A_304 = tpu.vector_load %arg10[%get3A_303] {strides = array<i32>} : memref<13312xf32, #tpu.memory_space<vmem>>, vector<16xf32>,
      %get3A_305 = vector.shape_cast %get3A_304 : vector<16xf32> to vector<16xf32>
      %add3A_306 = arith.addf %add3A_298, %get3A_305 : vector<16xf32>
      %swap3A = arith.index_cast %mul3A_96 : i32 to index
      %swap3A_307 = tpu.vector_load %arg13[%swap3A] {strides = array<i32>} : memref<512xf32, #tpu.memory_space<vmem>>, vector<16xf32>,
      %swap3A_308 = vector.shape_cast %swap3A_307 : vector<16xf32> to vector<16xf32>
      %swap3A_309 = vector.shape_cast %add3A_306 : vector<16xf32> to vector<16xf32>
      tpu.vector_store %arg13[%swap3A], %swap3A_309 {strides = array<i32>} : memref<512xf32, #tpu.memory_space<vmem>>, vector<16xf32>,
      %scan3A_310 = arith.constant 0 : i32
      scf.yield %scan3A_310 : i32
    }
    %scan3A_92 = arith.constant 32 : i32
    "tpu.region"() ({
      %run_scoped3A = tpu.sem_alloc : memref<!tpu.dma_semaphore, #tpu.memory_space<semaphore_mem>>
      %dma_start3A_93 = tpu.memref_slice %arg7[%mul3A_2] : memref<16384xf32, #tpu.memory_space<hbm>> -> memref<512xf32, #tpu.memory_space<hbm>>
      %dma_start3A_94 = tpu.memref_slice %arg7[%mul3A_2] : memref<16384xf32, #tpu.memory_space<hbm>> -> memref<512xf32, #tpu.memory_space<hbm>>
      tpu.enqueue_dma source(%arg13 : memref<512xf32, #tpu.memory_space<vmem>>) target(%dma_start3A_94 : memref<512xf32, #tpu.memory_space<hbm>>) target_semaphore(%run_scoped3A : memref<!tpu.dma_semaphore, #tpu.memory_space<semaphore_mem>>)
      %dma_wait3A_95 = tpu.memref_slice %arg7[%mul3A_2] : memref<16384xf32, #tpu.memory_space<hbm>> -> memref<512xf32, #tpu.memory_space<hbm>>
      %dma_wait3A_96 = tpu.memref_slice %arg7[%mul3A_2] : memref<16384xf32, #tpu.memory_space<hbm>> -> memref<512xf32, #tpu.memory_space<hbm>>
      tpu.wait_dma2 semaphore(%run_scoped3A : memref<!tpu.dma_semaphore, #tpu.memory_space<semaphore_mem>>) src(%arg13 : memref<512xf32, #tpu.memory_space<vmem>>) dst(%dma_wait3A_96 : memref<512xf32, #tpu.memory_space<hbm>>)
      tpu.yield
    }) : () -> ()
    return
  }
}

</mosaic_0001>

<sc_bundles>
// kernel: _cat_linear_sc.3.cloned.1.call-start
scs
__scs_entry_jumppad:
0x0: {  	(pc) =	sbr.rel $0x88, $3  }
0x1: {  	(tag) =	ssettag $0x0;
	lr =	simm.s32 $0x1  }
0x2: {  	[smem:$0x3F9C] =	sst lr;
	_ =	strace $0xD0000000  }
0x3: {  	_ = 	snop  }
0x4: {  	_ = 	snop  }
0x5: {  	_ = 	snop  }
0x6: {  	_ = 	snop  }
0x7: {  	_ = 	snop  }
__scs_overlays_trampoline_lowered:
0x8: {  	[smem:$0x3FAB] =	sst s0  }
0x9: {  	[smem:$0x3FAC] =	sst s1  }
0xa: {  	[smem:$0x3FAD] =	sst s2  }
0xb: {  	[smem:$0x3FAE] =	sst s3  }
0xc: {  	[smem:$0x3FAF] =	sst s4  }
0xd: {  	[smem:$0x3FB0] =	sst s5  }
0xe: {  	[smem:$0x3FB1] =	sst s6  }
0xf: {  	[smem:$0x3FB2] =	sst s7  }
0x10: {  	[smem:$0x3FB3] =	sst s8  }
0x11: {  	[smem:$0x3FB4] =	sst s9;
	s0 =	simm.s32 @!p0 $0x0  }
0x12: {  	s1 =	sld [smem:$0x3F9A];
	s0 =	simm.s32 @p0 $0x1  }
0x13: {  	[smem:$0x3FB5] =	sst s0;
	s0 =	simm.s32 @!p1 $0x0  }
0x14: {  	s2 =	sld [smem:$0x3F99];
	s0 =	simm.s32 @p1 $0x1  }
0x15: {  	[smem:$0x3FB6] =	sst s0;
	s0 =	simm.s32 @!p2 $0x0  }
0x16: {  	s3 =	sld [smem:$0x3FDB];
	s0 =	simm.s32 @p2 $0x1  }
0x17: {  	s4 =	simm.s32 $0x1BF5;
	[smem:$0x3FB8] =	sst s0  }
0x18: {  	s0 =	sld [smem:$0x3F9B];
	_ =	swait.ge [sflag:s4], $0x0  }
0x19: {  	s7 =	sld [smem:$0x3F9C]  }
0x1a: {  	s8 =	sadd.s32 $0xFFFFE003, lr  }
0x1b: {  	s9 =	sadd.s32 $0xFFFFFEF7, lr;
	s5 =	simm.s32 $0xFFFFFFFF;
	p2 =	slt.u32 s8, $0xFFFFF086  }
0x1c: {  	p1 =	slt.u32 s9, $0xF7A;
	s5 =	simm.s32 @!p2 $0x0  }
0x1d: {  	s5 =	simm.s32 @p1 $0x1;
	p0 =	seq.s32 s7, s2  }
0x1e: {  	s7 =	smul.u32 @!p0 $0xF7A, s2;
	p2 =	seq.s32 @!p0 s5, $0x0  }
0x1f: {  	s9 =	smul.u32 $0xF7A, s1;
	s8 =	simm.s32 @!p0 $0x1BF5;
	p2 =	por !p2, p0  }
0x20: {  	[sflag:s8] =	ssyncset.s32 @!p0 $0xFFFFF086;
	s6 =	sadd.s32 @!p0 s3, s7;
	s7 =	simm.s32 @!p0 $0x108  }
0x21: {  	s3 =	sadd.s32 s3, s9;
	s6 =	sadd.s32 @!p0 $0x88, s6;
	s7 =	simm.s32 @p2 $0x1082  }
0x22: {  	[simem:s7], [sflag:s8] =	dma.local @!p0 [hbm:s6], $0xF7A  }
0x23: {  	s9 =	sor.u32 $0xD0000000, s2;
	s6 =	simm.s32 $0x108;
	_ =	swait.ge @!p0 [sflag:s8], $0x0  }
0x24: {  	s3 =	sadd.s32 $0x88, s3;
	s6 =	simm.s32 @!p1 $0x1082;
	[sflag:s4] =	ssyncset.s32 $0xFFFFF086  }
0x25: {  	[simem:s6], [sflag:s4] =	dma.local [hbm:s3], $0xF7A  }
0x26: {  	[smem:$0x3F9C] =	sst s1;
	(tag) =	ssettag s2;
	_ =	strace s9  }
0x27: {  	s1 =	sld [smem:$0x3FAC]  }
0x28: {  	s2 =	sld [smem:$0x3FAD]  }
0x29: {  	s4 =	sld [smem:$0x3FAF]  }
0x2a: {  	p0 =	seq.s32 s5, $0x0;
	s5 =	sld [smem:$0x3FB0]  }
0x2b: {  	s6 =	sld [smem:$0x3FB1]  }
0x2c: {  	s7 =	sld [smem:$0x3FB2]  }
0x2d: {  	s3 =	simm.s32 $0x108;
	s8 =	sld [smem:$0x3FB3]  }
0x2e: {  	s3 =	simm.s32 @!p0 $0x1082;
	s9 =	sld [smem:$0x3FB4]  }
0x2f: {  	lr =	sadd.s32 s0, s3;
	s0 =	sld [smem:$0x3FAB]  }
0x30: {  	s3 =	sld [smem:$0x3FAE]  }
0x31: {  	[smem:$0x3FB7] =	sst s10  }
0x32: {  	s10 =	sld [smem:$0x3FB5];
	_ =	sdelay $0x3  }
0x33: {  	p0 =	seq.s32 s10, $0x1;
	s10 =	sld [smem:$0x3FB7];
	_ =	sdelay $0x3  }
0x34: {  	[smem:$0x3FB7] =	sst s10  }
0x35: {  	s10 =	sld [smem:$0x3FB6];
	_ =	sdelay $0x3  }
0x36: {  	p1 =	seq.s32 s10, $0x1;
	s10 =	sld [smem:$0x3FB7];
	_ =	sdelay $0x3  }
0x37: {  	[smem:$0x3FB7] =	sst s10  }
0x38: {  	s10 =	sld [smem:$0x3FB8]  }
0x39: {  	_ = 	snop;
	(pc) =	sbr.ind lr, $3  }
0x3a: {  	_ = 	snop  }
0x3b: {  	_ = 	snop  }
0x3c: {  	p2 =	seq.s32 s10, $0x1;
	s10 =	sld [smem:$0x3FB7]  }
0x3d: {  	_ =	shalt  }
0x3e: {  	_ =	shalt  }
0x3f: {  	_ =	shalt  }
0x40: {  	_ =	shalt  }
0x41: {  	_ =	shalt  }
0x42: {  	_ =	shalt  }
0x43: {  	_ =	shalt  }
0x44: {  	_ =	shalt  }
0x45: {  	_ =	shalt  }
0x46: {  	_ =	shalt  }
0x47: {  	_ =	shalt  }
0x48: {  	_ =	shalt  }
0x49: {  	_ =	shalt  }
0x4a: {  	_ =	shalt  }
0x4b: {  	_ =	shalt  }
0x4c: {  	_ =	shalt  }
0x4d: {  	_ =	shalt  }
0x4e: {  	_ =	shalt  }
0x4f: {  	_ =	shalt  }
0x50: {  	_ =	shalt  }
0x51: {  	_ =	shalt  }
0x52: {  	_ =	shalt  }
0x53: {  	_ =	shalt  }
0x54: {  	_ =	shalt  }
0x55: {  	_ =	shalt  }
0x56: {  	_ =	shalt  }
0x57: {  	_ =	shalt  }
0x58: {  	_ =	shalt  }
0x59: {  	_ =	shalt  }
0x5a: {  	_ =	shalt  }
0x5b: {  	_ =	shalt  }
0x5c: {  	_ =	shalt  }
0x5d: {  	_ =	shalt  }
0x5e: {  	_ =	shalt  }
0x5f: {  	_ =	shalt  }
0x60: {  	_ =	shalt  }
0x61: {  	_ =	shalt  }
0x62: {  	_ =	shalt  }
0x63: {  	_ =	shalt  }
0x64: {  	_ =	shalt  }
0x65: {  	_ =	shalt  }
0x66: {  	_ =	shalt  }
0x67: {  	_ =	shalt  }
0x68: {  	_ =	shalt  }
0x69: {  	_ =	shalt  }
0x6a: {  	_ =	shalt  }
0x6b: {  	_ =	shalt  }
0x6c: {  	_ =	shalt  }
0x6d: {  	_ =	shalt  }
0x6e: {  	_ =	shalt  }
0x6f: {  	_ =	shalt  }
0x70: {  	_ =	shalt  }
0x71: {  	_ =	shalt  }
0x72: {  	_ =	shalt  }
0x73: {  	_ =	shalt  }
0x74: {  	_ =	shalt  }
0x75: {  	_ =	shalt  }
0x76: {  	_ =	shalt  }
0x77: {  	_ =	shalt  }
0x78: {  	_ =	shalt  }
0x79: {  	_ =	shalt  }
0x7a: {  	_ =	shalt  }
0x7b: {  	_ =	shalt  }
0x7c: {  	_ =	shalt  }
0x7d: {  	_ =	shalt  }
0x7e: {  	_ =	shalt  }
0x7f: {  	_ =	shalt  }
0x80: {  	_ =	shalt  }
0x81: {  	_ =	shalt  }
0x82: {  	_ =	shalt  }
0x83: {  	_ =	shalt  }
0x84: {  	_ =	shalt  }
0x85: {  	_ =	shalt  }
0x86: {  	_ =	shalt  }
0x87: {  	_ =	shalt  }
.Lfunc_end0:
.L_simem_size_0:
called_computation_lowered:
.L_overlay_start_0:
0x88: {  	s2 =	sld [smem:$0x3FD9]  }
0x89: {  	s3 =	sld [smem:$0x3FFE];
	_ =	sdelay $0x1  }
0x8a: {  	s1 =	srdreg.scid  }
0x8b: {  	s0 =	sand.u32 $0x1, s1  }
0x8c: {  	s18 =	sshll.u32 s0, $0xA;
	s2 =	sadd.s32 s3, s2  }
0x8d: {  	s2 =	sadd.s32 s2, s18  }
0x8e: {  	[smem:$0x3FC3] =	sst s2  }
0x8f: {  	_ = 	snop  }
0x90: {  	s2 =	sld [smem:$0x3FC9]  }
0x91: {  	s19 =	sld [smem:$0x3FC8]  }
0x92: {  	s4 =	sld [smem:$0x3FC7]  }
0x93: {  	s5 =	sld [smem:$0x3FC6]  }
0x94: {  	s6 =	sld [smem:$0x3FC5]  }
0x95: {  	s7 =	sld [smem:$0x3FD0];
	(tm) =	ssettm $0x1  }
0x96: {  	s8 =	sld [smem:$0x3FFB];
	_ =	sdelay $0x3  }
0x97: {  	_ =	strace s8  }
0x98: {  	s8 =	sld [smem:$0x3FFC];
	_ =	sdelay $0x3  }
0x99: {  	_ =	strace s8  }
0x9a: {  	s8 =	sld [smem:$0x3FFD];
	_ =	sdelay $0x3  }
0x9b: {  	_ =	strace s8  }
0x9c: {  	_ =	strace $0x8FFFFFFF  }
0x9d: {  	s20 =	sld [smem:$0x3FDB];
	_ =	sdelay $0x1  }
0x9e: {  	s9 =	simm.s32 $_scs_section_size  }
0x9f: {  	s10 =	simm.s32 $_size__tile_overlayer_lowered;
	s11 =	simm.s32 $_tile_overlayer_lowered  }
0xa0: {  	s23 =	simm.s32 $0x1BFF;
	s22 =	sshll.u32 s11, $0x1;
	s8 =	sadd.s32 s9, s20  }
0xa1: {  	s12 =	simm.s32 $0x0;
	s21 =	sshll.u32 s10, $0x1;
	s10 =	sadd.s32 s22, s8  }
0xa2: {  	[timem:s12], [sflag:s23] =	dma.local [hbm:s10], s21  }
0xa3: {  	_ =	swait.ge [sflag:s23], s21  }
0xa4: {  	s9 =	ssub.s32 $0x0, s21;
	[sflag:s23] =	ssyncset.done $0x0  }
0xa5: {  	[sflag:s23] =	ssyncadd.s32 s9;
	_ =	sdelay $0x1  }
0xa6: {  	s24 =	simm.s32 $0x1B8B  }
0xa7: {  	_ =	swait.ge [sflag:s24], $0x1  }
0xa8: {  	[sflag:s24] =	ssyncset.done $0x0  }
0xa9: {  	s25 =	simm.s32 $0x1B8E;
	[sflag:s24] =	ssyncadd.s32 $0xFFFFFFFF  }
0xaa: {  	s26 =	simm.s32 $execute0_lowered;
	[smem:$0x3FD2] =	sst s25  }
0xab: {  	s9 =	sshll.u32 s26, $0x1;
	_ =	strace $0x80000046;
	[dreg:$0x1] =	wrdreg $0xFFFFFFFF  }
0xac: {  	s28 =	simm.s32 $_size_execute0_lowered;
	s8 =	sadd.s32 s8, s9;
	[dreg:$0x0] =	wrdreg $0x0  }
0xad: {  	s9 =	sshll.u32 s28, $0x1;
	[dreg:$0x2] =	wrdreg s8  }
0xae: {  	[dreg:$0x3] =	wrdreg s9  }
0xaf: {  	[dreg:$0x4] =	wrdreg $0xC0  }
0xb0: {  	_ =	task [dreg:s12], $0x5FFFF  }
0xb1: {  	[dreg:$0x1] =	wrdreg $0xFFFFFFFF  }
0xb2: {  	[dreg:$0x0] =	wrdreg $0x60  }
0xb3: {  	[dreg:$0x2] =	wrdreg s2  }
0xb4: {  	[dreg:$0x3] =	wrdreg s19  }
0xb5: {  	[dreg:$0x4] =	wrdreg s4  }
0xb6: {  	[dreg:$0x5] =	wrdreg s5  }
0xb7: {  	[dreg:$0x6] =	wrdreg s6  }
0xb8: {  	[dreg:$0x7] =	wrdreg s7  }
0xb9: {  	[dreg:$0x8] =	wrdreg $0x9  }
0xba: {  	_ =	task.clear_ibuf [dreg:s12], $0x9FFFF;
	_ =	strace $0x90000046  }
0xbb: {  	s29 =	simm.s32 $0x9;
	_ =	strace $0x80000048  }
0xbc: {  	_ =	swait.ge [sflag:s29], $0x1  }
0xbd: {  	[sflag:s29] =	ssyncadd.s32 $0xFFFFFFFF  }
0xbe: {  	_ =	strace $0x90000048  }
0xbf: {  	_ =	sfence  }
0xc0: {  	s30 =	sld [smem:$0x0];
	_ =	sdelay $0x2  }
0xc1: {  	s31 =	sshll.u32 s1, $0xD;
	s1 =	sshrl.u32 s1, $0x2  }
0xc2: {  	s3 =	sand.u32 $0x4000, s31;
	s1 =	sadd.s32 s1, s30  }
0xc3: {  	s0 =	sor.u32 s3, s0;
	s1 =	sshll.u32 s1, $0x11  }
0xc4: {  	s0 =	sor.u32 s1, s0  }
0xc5: {  	s0 =	sadd.s32 $0x8F2B, s0  }
0xc6: {  	[sflag:s0] =	ssyncadd.remote.s32 $0x1  }
0xc7: {  	_ =	sfence.sel $0xFFFF  }
0xc8: {  	[dreg:$0x0] =	wrdreg $0xFFFFFFFF;
	(pc) =	sbr.abs _section_cstart, $3  }
0xc9: {  	[dreg:$0x1] =	wrdreg $0xFFFFFFFF  }
0xca: {  	_ =	task.clear_ibuf [dreg:s12], $0x2FFFF;
	_ =	strace $0x9FFFFFFF  }
0xcb: {  	(tm) =	ssettm $0x7FFFFFFF  }
tec
execute0_lowered:
.L_overlay_start_1:
0x0: {  	(tag) =	ssettag $0x1  }
0x1: {  	s0 =	rddreg [dreg:$0x0]  }
0x2: {  	s1 =	rddreg [dreg:$0x2]  }
0x3: {  	s2 =	rddreg [dreg:$0x3]  }
0x4: {  	s4 =	rddreg [dreg:$0x4]  }
0x5: {  	s3 =	rddreg [dreg:$0x5]  }
0x6: {  	s5 =	srdreg.scid;
	s8 =	stileid.u32  }
0x7: {  	s12 =	simm.s32 $0x5;
	s13 =	simm.s32 $0x3400;
	s14 =	simm.s32 $0x9C00  }
0x8: {  	s15 =	simm.s32 $0xB600;
	s16 =	simm.s32 $0xD00;
	s17 =	simm.s32 $0x6800  }
0x9: {  	s18 =	simm.s32 $0x7500;
	s19 =	simm.s32 $0x1A00;
	s20 =	simm.s32 $0x8200  }
0xa: {  	s21 =	simm.s32 $0x2700;
	s22 =	simm.s32 $0x8F00;
	s23 =	simm.s32 $0x1  }
0xb: {  	s28 =	simm.s32 $0xB700;
	s29 =	simm.s32 $0x0;
	s6 =	sand.u32 $0x1, s5  }
0xc: {  	s7 =	sshll.u32 s8, $0x1;
	s8 =	sshrl.u32 s8, $0x2;
	s5 =	simm.s32 $0x0  }
0xd: {  	s9 =	sor.u32 s6, s7;
	s24 =	smul.u32 $0x1A000, s8;
	[smem:$0x7FF] =	sst s5  }
0xe: {  	s8 =	smul.u32 $0xD000, s8;
	s6 =	ssub.s32 $0x2, s6;
	s10 =	sshll.u32 s9, $0x7  }
0xf: {  	_ =	strace $0x80000047;
	s11 =	sshrl.u32 s6, $0x1;
	s31 =	sshll.u32 s9, $0x6  }
0x10: {  	s10 =	sand.u32 $0x380, s10;
	s25 =	ssub.s32 s6, s11;
	s11 =	simm.s32 $0x400  }
0x11: {  	s7 =	sor.u32 s24, s10;
	s8 =	sor.u32 s8, s10;
	s9 =	smax.u32 s25, $0x1  }
0x12: {  	s10 =	simm.s32 $0x80;
	s24 =	simm.s32 $0x2;
	s25 =	simm.s32 $0x3  }
0x13: {  	s26 =	sshrl.u32 s7, $0x3;
	s30 =	sshrl.u32 s8, $0x3;
	s8 =	sadd.s32 s3, s31  }
0x14: {  	s6 =	sadd.s32 s0, s26;
	s7 =	sadd.s32 s1, s30;
	s26 =	simm.s32 $0x4  }
.LBB2_1:
0x15: {  	[tilespmem:s5], [sflag:$0x5] =	stream.strided.gather [hbm4b:s6+s10], $0x3400, s11, s10, $0x38;
	[tilespmem:$0xB900] =	vst v63  }
0x16: {  	_ =	swait.ge [sflag:s12], $0x3400  }
0x17: {  	[sflag:s12] =	ssyncset.done $0x0  }
0x18: {  	[sflag:s12] =	ssyncadd.s32 $0xFFFFCC00  }
0x19: {  	s0 =	rddreg [dreg:$0x1]  }
0x1a: {  	[tilespmem:s13], [sflag:$0x5] =	stream.linear.gather [hbm4b:s0+s5], $0x3400, $0x38;
	[tilespmem:$0xB900] =	vst v63  }
0x1b: {  	_ =	swait.ge [sflag:s12], $0x3400  }
0x1c: {  	[sflag:s12] =	ssyncset.done $0x0  }
0x1d: {  	[sflag:s12] =	ssyncadd.s32 $0xFFFFCC00  }
0x1e: {  	[tilespmem:s14], [sflag:$0x5] =	stream.strided.gather [hbm4b:s7+s10], $0x1A00, s11, s10, $0x38;
	[tilespmem:$0xB900] =	vst v63  }
0x1f: {  	_ =	swait.ge [sflag:s12], $0x1A00  }
0x20: {  	[sflag:s12] =	ssyncset.done $0x0  }
0x21: {  	[sflag:s12] =	ssyncadd.s32 $0xFFFFE600  }
0x22: {  	[tilespmem:s15], [sflag:$0x5] =	stream.linear.gather [hbm4b:s2+s5], $0x100, $0x38;
	[tilespmem:$0xB900] =	vst v63  }
0x23: {  	_ =	swait.ge [sflag:s12], $0x100  }
0x24: {  	[sflag:s12] =	ssyncset.done $0x0  }
0x25: {  	s0 =	simm.s32 $0x0;
	[sflag:s12] =	ssyncadd.s32 $0xFFFFFF00  }
0x26: {  	s1 =	simm.s32 $0x40;
	v0 =	vld [tilespmem:s0+$0x3400]  }
.LBB2_2:
0x27: {  	p0 =	sne.s32 s1, $0xCFC0;
	v1 =	vld [tilespmem:s0+$0x0];
	_ =	sdelay $0x1  }
.Ltmp0:
0x28: {  	(pc) =	sbr.rel @p0 .LBB2_2-.Ltmp0, $3  }
0x29: {  	_ =	sdelay $0x1  }
0x2a: {  	s3 =	sshra.s32 s1, $0x2;
	v1 =	vadd.s32 v1, v0  }
0x2b: {  	s1 =	sadd.s32 $0x40, s1;
	v0 =	vld [tilespmem:s3+$0x3400];
	[tilespmem:s0+$0x0] =	vst v1;
	s0 =	smov.u32 s3  }
0x2c: {  	v1 =	vld [tilespmem:s0+$0x0];
	_ =	sdelay $0x4  }
0x2d: {  	v0 =	vadd.s32 v1, v0  }
0x2e: {  	s3 =	simm.s32 $0x0;
	[tilespmem:s0+$0x0] =	vst v0  }
0x2f: {  	[tilespmem:s17], [sflag:$0x1] =	stream.indirect.gather [hbm4b:s4+s16], $0x1, s3, s16, $0xb8;
	[tilespmem:$0xB900] =	vst v63  }
0x30: {  	_ = 	snop  }
0x31: {  	[tilespmem:s18], [sflag:$0x2] =	stream.indirect.gather [hbm4b:s4+s16], $0x1, s16, s16, $0xb8;
	[tilespmem:$0xB900] =	vst v63  }
0x32: {  	_ = 	snop  }
0x33: {  	[tilespmem:s20], [sflag:$0x3] =	stream.indirect.gather [hbm4b:s4+s16], $0x1, s19, s16, $0xb8;
	[tilespmem:$0xB900] =	vst v63  }
0x34: {  	_ = 	snop  }
0x35: {  	[tilespmem:s22], [sflag:$0x4] =	stream.indirect.gather [hbm4b:s4+s16], $0x1, s21, s16, $0xb8;
	[tilespmem:$0xB900] =	vst v63  }
0x36: {  	s1 =	simm.s32 $0x9C00;
	v0 =	vld [tilespmem:$0xB6D0]  }
0x37: {  	v1 =	vld [tilespmem:s1+$0x0]  }
0x38: {  	s0 =	sand.u32 $0x1F0, s3;
	v2 =	vld [tilespmem:$0xB600]  }
0x39: {  	v3 =	vld [tilespmem:s0+$0x9E00]  }
0x3a: {  	v4 =	vld [tilespmem:$0xB610]  }
0x3b: {  	v5 =	vld [tilespmem:s0+$0xA000]  }
0x3c: {  	v6 =	vld [tilespmem:$0xB620]  }
0x3d: {  	v7 =	vld [tilespmem:$0xB630];
	v1 =	vmul.f32 v2, v1  }
0x3e: {  	v2 =	vld [tilespmem:s0+$0xA200]  }
0x3f: {  	v52 =	vld [tilespmem:$0xB640];
	v0 =	vadd.f32 v1, v0;
	v1 =	vmul.f32 v4, v3  }
0x40: {  	v3 =	vld [tilespmem:s0+$0xA400]  }
0x41: {  	v53 =	vld [tilespmem:s0+$0xA600];
	v0 =	vadd.f32 v1, v0;
	v1 =	vmul.f32 v6, v5  }
0x42: {  	v54 =	vld [tilespmem:$0xB650]  }
0x43: {  	v55 =	vld [tilespmem:$0xB660];
	v0 =	vadd.f32 v1, v0;
	v1 =	vmul.f32 v7, v2  }
0x44: {  	v2 =	vld [tilespmem:s0+$0xA800]  }
0x45: {  	v56 =	vld [tilespmem:$0xB670];
	v0 =	vadd.f32 v1, v0;
	v1 =	vmul.f32 v52, v3  }
0x46: {  	v3 =	vld [tilespmem:s0+$0xAA00]  }
0x47: {  	v57 =	vld [tilespmem:s0+$0xAC00];
	v0 =	vadd.f32 v1, v0;
	v1 =	vmul.f32 v54, v53  }
0x48: {  	v58 =	vld [tilespmem:$0xB680]  }
0x49: {  	v59 =	vld [tilespmem:$0xB690];
	v0 =	vadd.f32 v1, v0;
	v1 =	vmul.f32 v55, v2  }
0x4a: {  	v2 =	vld [tilespmem:s0+$0xAE00]  }
0x4b: {  	v60 =	vld [tilespmem:$0xB6A0];
	v0 =	vadd.f32 v1, v0;
	v1 =	vmul.f32 v56, v3  }
0x4c: {  	v3 =	vld [tilespmem:s0+$0xB000]  }
0x4d: {  	v61 =	vld [tilespmem:s0+$0xB200];
	v0 =	vadd.f32 v1, v0;
	v1 =	vmul.f32 v58, v57  }
0x4e: {  	v62 =	vld [tilespmem:$0xB6B0]  }
0x4f: {  	v63 =	vld [tilespmem:$0xB6C0];
	v0 =	vadd.f32 v1, v0;
	v1 =	vmul.f32 v59, v2  }
0x50: {  	v2 =	vld [tilespmem:s0+$0xB400]  }
0x51: {  	v0 =	vadd.f32 v1, v0;
	v1 =	vmul.f32 v60, v3;
	_ =	sdelay $0x1  }
0x52: {  	v0 =	vadd.f32 v1, v0;
	v1 =	vmul.f32 v62, v61;
	_ =	sdelay $0x1  }
0x53: {  	v0 =	vadd.f32 v1, v0;
	v1 =	vmul.f32 v63, v2;
	_ =	sdelay $0x1  }
0x54: {  	v0 =	vadd.f32 v1, v0  }
0x55: {  	s30 =	simm.s32 $0xB700  }
0x56: {  	[tilespmem:s30+$0x0] =	vst v0  }
0x57: {  	s3 =	simm.s32 $0x9C10;
	v0 =	vld [tilespmem:$0xB6D0]  }
0x58: {  	s1 =	simm.s32 $0x10;
	v1 =	vld [tilespmem:s3+$0x0]  }
0x59: {  	s31 =	simm.s32 $0x20;
	s0 =	sand.u32 $0x1F0, s1;
	v2 =	vld [tilespmem:$0xB600]  }
.LBB2_4:
0x5a: {  	p0 =	sne.s32 s31, $0x1F0;
	v3 =	vld [tilespmem:s0+$0x9E00]  }
0x5b: {  	v4 =	vld [tilespmem:$0xB610]  }
0x5c: {  	v5 =	vld [tilespmem:s0+$0xA000]  }
0x5d: {  	v6 =	vld [tilespmem:$0xB620]  }
0x5e: {  	v1 =	vmul.f32 v2, v1;
	v2 =	vld [tilespmem:s0+$0xA200]  }
0x5f: {  	v7 =	vld [tilespmem:$0xB630]  }
0x60: {  	v0 =	vadd.f32 v1, v0;
	v1 =	vmul.f32 v4, v3;
	v3 =	vld [tilespmem:s0+$0xA400]  }
0x61: {  	v4 =	vld [tilespmem:$0xB640]  }
0x62: {  	v0 =	vadd.f32 v1, v0;
	v1 =	vmul.f32 v6, v5;
	v5 =	vld [tilespmem:s0+$0xA600]  }
0x63: {  	v6 =	vld [tilespmem:$0xB650]  }
0x64: {  	v0 =	vadd.f32 v1, v0;
	v1 =	vmul.f32 v7, v2;
	v2 =	vld [tilespmem:s0+$0xA800]  }
0x65: {  	v7 =	vld [tilespmem:$0xB660]  }
0x66: {  	v0 =	vadd.f32 v1, v0;
	v1 =	vmul.f32 v4, v3;
	v3 =	vld [tilespmem:s0+$0xAA00]  }
0x67: {  	v4 =	vld [tilespmem:$0xB670]  }
0x68: {  	v0 =	vadd.f32 v1, v0;
	v1 =	vmul.f32 v6, v5;
	v5 =	vld [tilespmem:s0+$0xAC00]  }
0x69: {  	v6 =	vld [tilespmem:$0xB680]  }
0x6a: {  	v0 =	vadd.f32 v1, v0;
	v1 =	vmul.f32 v7, v2;
	v2 =	vld [tilespmem:s0+$0xAE00]  }
0x6b: {  	v7 =	vld [tilespmem:$0xB690]  }
0x6c: {  	v0 =	vadd.f32 v1, v0;
	v1 =	vmul.f32 v4, v3;
	v3 =	vld [tilespmem:s0+$0xB000]  }
0x6d: {  	v4 =	vld [tilespmem:$0xB6A0]  }
0x6e: {  	v0 =	vadd.f32 v1, v0;
	v1 =	vmul.f32 v6, v5;
	v5 =	vld [tilespmem:s0+$0xB200]  }
0x6f: {  	v6 =	vld [tilespmem:$0xB6B0]  }
0x70: {  	v0 =	vadd.f32 v1, v0;
	v1 =	vmul.f32 v7, v2;
	v2 =	vld [tilespmem:s0+$0xB400]  }
0x71: {  	v7 =	vld [tilespmem:$0xB6C0]  }
0x72: {  	v0 =	vadd.f32 v1, v0;
	v1 =	vmul.f32 v4, v3;
	_ =	sdelay $0x1  }
0x73: {  	v0 =	vadd.f32 v1, v0;
	v1 =	vmul.f32 v6, v5;
	_ =	sdelay $0x1  }
0x74: {  	v0 =	vadd.f32 v1, v0;
	v1 =	vmul.f32 v7, v2;
	_ =	sdelay $0x1  }
0x75: {  	v0 =	vadd.f32 v1, v0  }
.Ltmp1:
0x76: {  	s30 =	sadd.s32 $0x10, s30;
	(pc) =	sbr.rel @p0 .LBB2_4-.Ltmp1, $4  }
0x77: {  	[tilespmem:s30+$0x0] =	vst v0  }
0x78: {  	s3 =	sadd.s32 $0x10, s3;
	v0 =	vld [tilespmem:$0xB6D0]  }
0x79: {  	v1 =	vld [tilespmem:s3+$0x0]  }
0x7a: {  	s0 =	sand.u32 $0x1F0, s31;
	s31 =	sadd.s32 $0x10, s31;
	v2 =	vld [tilespmem:$0xB600]  }
0x7b: {  	v3 =	vld [tilespmem:s0+$0x9E00]  }
0x7c: {  	v4 =	vld [tilespmem:$0xB610]  }
0x7d: {  	v5 =	vld [tilespmem:s0+$0xA000]  }
0x7e: {  	v6 =	vld [tilespmem:$0xB620]  }
0x7f: {  	v7 =	vld [tilespmem:$0xB630];
	v1 =	vmul.f32 v2, v1  }
0x80: {  	v2 =	vld [tilespmem:s0+$0xA200]  }
0x81: {  	v52 =	vld [tilespmem:$0xB640];
	v0 =	vadd.f32 v1, v0;
	v1 =	vmul.f32 v4, v3  }
0x82: {  	v3 =	vld [tilespmem:s0+$0xA400]  }
0x83: {  	v53 =	vld [tilespmem:s0+$0xA600];
	v0 =	vadd.f32 v1, v0;
	v1 =	vmul.f32 v6, v5  }
0x84: {  	v54 =	vld [tilespmem:$0xB650]  }
0x85: {  	v55 =	vld [tilespmem:$0xB660];
	v0 =	vadd.f32 v1, v0;
	v1 =	vmul.f32 v7, v2  }
0x86: {  	v2 =	vld [tilespmem:s0+$0xA800]  }
0x87: {  	v56 =	vld [tilespmem:$0xB670];
	v0 =	vadd.f32 v1, v0;
	v1 =	vmul.f32 v52, v3  }
0x88: {  	v3 =	vld [tilespmem:s0+$0xAA00]  }
0x89: {  	v57 =	vld [tilespmem:s0+$0xAC00];
	v0 =	vadd.f32 v1, v0;
	v1 =	vmul.f32 v54, v53  }
0x8a: {  	v58 =	vld [tilespmem:$0xB680]  }
0x8b: {  	v59 =	vld [tilespmem:$0xB690];
	v0 =	vadd.f32 v1, v0;
	v1 =	vmul.f32 v55, v2  }
0x8c: {  	v2 =	vld [tilespmem:s0+$0xAE00]  }
0x8d: {  	v60 =	vld [tilespmem:$0xB6A0];
	v0 =	vadd.f32 v1, v0;
	v1 =	vmul.f32 v56, v3  }
0x8e: {  	v3 =	vld [tilespmem:s0+$0xB000]  }
0x8f: {  	v61 =	vld [tilespmem:s0+$0xB200];
	v0 =	vadd.f32 v1, v0;
	v1 =	vmul.f32 v58, v57  }
0x90: {  	v62 =	vld [tilespmem:$0xB6B0]  }
0x91: {  	v63 =	vld [tilespmem:$0xB6C0];
	v0 =	vadd.f32 v1, v0;
	v1 =	vmul.f32 v59, v2  }
0x92: {  	v2 =	vld [tilespmem:s0+$0xB400]  }
0x93: {  	v0 =	vadd.f32 v1, v0;
	v1 =	vmul.f32 v60, v3;
	_ =	sdelay $0x1  }
0x94: {  	v0 =	vadd.f32 v1, v0;
	v1 =	vmul.f32 v62, v61;
	_ =	sdelay $0x1  }
0x95: {  	v0 =	vadd.f32 v1, v0;
	v1 =	vmul.f32 v63, v2;
	_ =	sdelay $0x1  }
0x96: {  	v0 =	vadd.f32 v1, v0  }
0x97: {  	s3 =	sadd.s32 $0x10, s30  }
0x98: {  	[tilespmem:s3+$0x0] =	vst v0  }
0x99: {  	_ =	swait.ge [sflag:s23], $0xD00  }
0x9a: {  	[sflag:s23] =	ssyncset.done $0x0  }
0x9b: {  	[sflag:s23] =	ssyncadd.s32 $0xFFFFF300  }
0x9c: {  	_ =	swait.ge [sflag:s24], $0xD00  }
0x9d: {  	[sflag:s24] =	ssyncset.done $0x0  }
0x9e: {  	[sflag:s24] =	ssyncadd.s32 $0xFFFFF300  }
0x9f: {  	_ =	swait.ge [sflag:s25], $0xD00  }
0xa0: {  	[sflag:s25] =	ssyncset.done $0x0  }
0xa1: {  	[sflag:s25] =	ssyncadd.s32 $0xFFFFF300  }
0xa2: {  	_ =	swait.ge [sflag:s26], $0xD00  }
0xa3: {  	[sflag:s26] =	ssyncset.done $0x0  }
0xa4: {  	s31 =	simm.s32 $0x6800;
	[sflag:s26] =	ssyncadd.s32 $0xFFFFF300  }
0xa5: {  	s30 =	simm.s32 $0xB700;
	v0 =	vld [tilespmem:s31+$0x0]  }
0xa6: {  	s0 =	simm.s32 $0x0;
	s3 =	simm.s32 $0x10;
	v1 =	vld [tilespmem:s30+$0x0]  }
.LBB2_6:
0xa7: {  	p0 =	sne.s32 s3, $0x1F0;
	s1 =	sand.u32 $0x1F0, s0;
	s0 =	smov.u32 s3  }
0xa8: {  	v2 =	vld [tilespmem:s1+$0x6A00];
	_ =	sdelay $0x1  }
0xa9: {  	v3 =	vld [tilespmem:s1+$0x6C00]  }
0xaa: {  	v0 =	vadd.f32 v0, v1  }
0xab: {  	v1 =	vld [tilespmem:s1+$0x6E00]  }
0xac: {  	v0 =	vadd.f32 v2, v0  }
0xad: {  	v2 =	vld [tilespmem:s1+$0x7000]  }
0xae: {  	v0 =	vadd.f32 v3, v0  }
0xaf: {  	v3 =	vld [tilespmem:s1+$0x7200]  }
0xb0: {  	v0 =	vadd.f32 v1, v0  }
0xb1: {  	v1 =	vld [tilespmem:s1+$0x7400]  }
0xb2: {  	v0 =	vadd.f32 v2, v0  }
0xb3: {  	v2 =	vld [tilespmem:s1+$0x7600]  }
0xb4: {  	v0 =	vadd.f32 v3, v0  }
0xb5: {  	v3 =	vld [tilespmem:s1+$0x7800]  }
0xb6: {  	v0 =	vadd.f32 v1, v0  }
0xb7: {  	v1 =	vld [tilespmem:s1+$0x7A00]  }
0xb8: {  	v0 =	vadd.f32 v2, v0  }
0xb9: {  	v2 =	vld [tilespmem:s1+$0x7C00]  }
0xba: {  	v0 =	vadd.f32 v3, v0  }
0xbb: {  	v3 =	vld [tilespmem:s1+$0x7E00]  }
0xbc: {  	v0 =	vadd.f32 v1, v0  }
0xbd: {  	v1 =	vld [tilespmem:s1+$0x8000]  }
0xbe: {  	v0 =	vadd.f32 v2, v0  }
0xbf: {  	v2 =	vld [tilespmem:s1+$0x8200]  }
0xc0: {  	v0 =	vadd.f32 v3, v0  }
0xc1: {  	v3 =	vld [tilespmem:s1+$0x8400]  }
0xc2: {  	v0 =	vadd.f32 v1, v0  }
0xc3: {  	v1 =	vld [tilespmem:s1+$0x8600]  }
0xc4: {  	v0 =	vadd.f32 v2, v0  }
0xc5: {  	v2 =	vld [tilespmem:s1+$0x8800]  }
0xc6: {  	v0 =	vadd.f32 v3, v0  }
0xc7: {  	v3 =	vld [tilespmem:s1+$0x8A00]  }
0xc8: {  	v0 =	vadd.f32 v1, v0  }
0xc9: {  	v1 =	vld [tilespmem:s1+$0x8C00]  }
0xca: {  	v0 =	vadd.f32 v2, v0  }
0xcb: {  	v2 =	vld [tilespmem:s1+$0x8E00]  }
0xcc: {  	v0 =	vadd.f32 v3, v0  }
0xcd: {  	v3 =	vld [tilespmem:s1+$0x9000]  }
0xce: {  	v0 =	vadd.f32 v1, v0  }
0xcf: {  	v1 =	vld [tilespmem:s1+$0x9200]  }
0xd0: {  	v0 =	vadd.f32 v2, v0  }
0xd1: {  	v2 =	vld [tilespmem:s1+$0x9400]  }
0xd2: {  	v0 =	vadd.f32 v3, v0  }
0xd3: {  	v3 =	vld [tilespmem:s1+$0x9600]  }
0xd4: {  	v0 =	vadd.f32 v1, v0  }
0xd5: {  	v1 =	vld [tilespmem:s1+$0x9800]  }
0xd6: {  	v0 =	vadd.f32 v2, v0  }
0xd7: {  	v2 =	vld [tilespmem:s1+$0x9A00]  }
0xd8: {  	v0 =	vadd.f32 v3, v0;
	_ =	sdelay $0x1  }
0xd9: {  	v0 =	vadd.f32 v1, v0;
	_ =	sdelay $0x1  }
.Ltmp2:
0xda: {  	v0 =	vadd.f32 v2, v0;
	(pc) =	sbr.rel @p0 .LBB2_6-.Ltmp2, $4  }
0xdb: {  	_ = 	snop  }
0xdc: {  	s31 =	sadd.s32 $0x10, s31;
	[tilespmem:s30+$0x0] =	vst v0  }
0xdd: {  	s30 =	sadd.s32 $0x10, s30;
	v0 =	vld [tilespmem:s31+$0x0]  }
0xde: {  	s3 =	sadd.s32 $0x10, s3;
	v1 =	vld [tilespmem:s30+$0x0]  }
0xdf: {  	s0 =	sand.u32 $0x1F0, s0  }
0xe0: {  	v2 =	vld [tilespmem:s0+$0x6A00];
	_ =	sdelay $0x1  }
0xe1: {  	v3 =	vld [tilespmem:s0+$0x6C00]  }
0xe2: {  	v0 =	vadd.f32 v0, v1  }
0xe3: {  	v41 =	vld [tilespmem:s0+$0x6E00]  }
0xe4: {  	v0 =	vadd.f32 v2, v0  }
0xe5: {  	v42 =	vld [tilespmem:s0+$0x7000]  }
0xe6: {  	v0 =	vadd.f32 v3, v0  }
0xe7: {  	v43 =	vld [tilespmem:s0+$0x7200]  }
0xe8: {  	v0 =	vadd.f32 v41, v0  }
0xe9: {  	v44 =	vld [tilespmem:s0+$0x7400]  }
0xea: {  	v0 =	vadd.f32 v42, v0  }
0xeb: {  	v45 =	vld [tilespmem:s0+$0x7600]  }
0xec: {  	v0 =	vadd.f32 v43, v0  }
0xed: {  	v46 =	vld [tilespmem:s0+$0x7800]  }
0xee: {  	v0 =	vadd.f32 v44, v0  }
0xef: {  	v47 =	vld [tilespmem:s0+$0x7A00]  }
0xf0: {  	v0 =	vadd.f32 v45, v0  }
0xf1: {  	v48 =	vld [tilespmem:s0+$0x7C00]  }
0xf2: {  	v0 =	vadd.f32 v46, v0  }
0xf3: {  	v49 =	vld [tilespmem:s0+$0x7E00]  }
0xf4: {  	v0 =	vadd.f32 v47, v0  }
0xf5: {  	v50 =	vld [tilespmem:s0+$0x8000]  }
0xf6: {  	v0 =	vadd.f32 v48, v0  }
0xf7: {  	v51 =	vld [tilespmem:s0+$0x8200]  }
0xf8: {  	v0 =	vadd.f32 v49, v0  }
0xf9: {  	v52 =	vld [tilespmem:s0+$0x8400]  }
0xfa: {  	v0 =	vadd.f32 v50, v0  }
0xfb: {  	v53 =	vld [tilespmem:s0+$0x8600]  }
0xfc: {  	v0 =	vadd.f32 v51, v0  }
0xfd: {  	v54 =	vld [tilespmem:s0+$0x8800]  }
0xfe: {  	v0 =	vadd.f32 v52, v0  }
0xff: {  	v55 =	vld [tilespmem:s0+$0x8A00]  }
0x100: {  	v0 =	vadd.f32 v53, v0  }
0x101: {  	v56 =	vld [tilespmem:s0+$0x8C00]  }
0x102: {  	v0 =	vadd.f32 v54, v0  }
0x103: {  	v57 =	vld [tilespmem:s0+$0x8E00]  }
0x104: {  	v0 =	vadd.f32 v55, v0  }
0x105: {  	v58 =	vld [tilespmem:s0+$0x9000]  }
0x106: {  	v0 =	vadd.f32 v56, v0  }
0x107: {  	v59 =	vld [tilespmem:s0+$0x9200]  }
0x108: {  	v0 =	vadd.f32 v57, v0  }
0x109: {  	v60 =	vld [tilespmem:s0+$0x9400]  }
0x10a: {  	v0 =	vadd.f32 v58, v0  }
0x10b: {  	v61 =	vld [tilespmem:s0+$0x9600]  }
0x10c: {  	v0 =	vadd.f32 v59, v0  }
0x10d: {  	v62 =	vld [tilespmem:s0+$0x9800]  }
0x10e: {  	v0 =	vadd.f32 v60, v0  }
0x10f: {  	v63 =	vld [tilespmem:s0+$0x9A00]  }
0x110: {  	v0 =	vadd.f32 v61, v0;
	_ =	sdelay $0x1  }
0x111: {  	v0 =	vadd.f32 v62, v0;
	_ =	sdelay $0x1  }
0x112: {  	s29 =	sadd.s32 $0x1, s29;
	v0 =	vadd.f32 v63, v0  }
0x113: {  	p0 =	sne.s32 s29, s9  }
.Ltmp3:
0x114: {  	[tilespmem:s30+$0x0] =	vst v0;
	(pc) =	sbr.rel @p0 .LBB2_1-.Ltmp3, $4  }
0x115: {  	[hbm4b:s8+s5] =	stream.linear.scatter [tilespmem:s28], [sflag:$0x5], $0x200, $0x38;
	[tilespmem:$0xB900] =	vst v63  }
0x116: {  	_ =	swait.ge [sflag:s12], $0x200  }
0x117: {  	[sflag:s12] =	ssyncset.done $0x0  }
0x118: {  	[sflag:s12] =	ssyncadd.s32 $0xFFFFFE00  }
0x119: {  	_ =	sfence.sel $0x180000  }
0x11a: {  	[bflag:$0x0] =	sbarrier.arrive $0xFFFF  }
0x11b: {  	_ =	strace $0x90000047  }
0x11c: {  	s0 =	stileid.u32;
	[bflag:$0x2] =	sbarrier.arrive $0xFFFF  }
0x11d: {  	p0 =	sne.s32 s0, $0x0;
	s0 =	rddreg [dreg:$0x6]  }
0x11e: {  	s0 =	sadd.s32 @!p0 $0x100000, s0  }
0x11f: {  	[sflag:s0] =	ssyncadd.tile.s32 @!p0 $0x1;
	_ =	shalt  }
.Lfunc_end2:
_tile_overlayer_lowered:
.L_overlay_start_2:
0x120: {  	(tag) =	ssettag $0x2  }
0x121: {  	s0 =	rddreg [dreg:$0x0];
	s2 =	stileid.u32  }
0x122: {  	s1 =	rddreg [dreg:$0x1];
	p0 =	sne.s32 s2, $0x0  }
0x123: {  	s3 =	rddreg [dreg:$0x2];
	[bflag:$0x3] =	sbarrier.arrive $0xFFFF;
	s2 =	simm.s32 @!p0 $0x1C05  }
0x124: {  	[timem:s3], [sflag:s2] =	dma.local @!p0 [hbm:s0], s1  }
0x125: {  	s0 =	simm.s32 @!p0 $0x5  }
0x126: {  	_ =	swait.ge @!p0 [sflag:s0], s1  }
0x127: {  	s1 =	ssub.s32 @!p0 $0x0, s1;
	[sflag:s0] =	ssyncset.done @!p0 $0x0  }
0x128: {  	[sflag:s0] =	ssyncadd.s32 @!p0 s1  }
0x129: {  	[bflag:$0x3] =	sbarrier.arrive $0xFFFF  }
0x12a: {  	_ =	shalt  }

</sc_bundles>
